<compile_context>
chip_gen: v7x
topology: tpu7x:2x2x1
jax: 0.10.2.dev20260603
libtpu: 0.0.44.dev20260713+nightly
codegen_flags: <defaults>
</compile_context>

<pallas_src>
import dataclasses
import functools

import jax
import jax.numpy as jnp
from jax import lax
from jax.experimental import pallas as pl
from jax.experimental.pallas import tpu as pltpu
from jax.experimental.pallas import tpu_sc as plsc

_CH = 256


def _sc_hardmax(n, m, n_workers):
    nch = n // _CH
    cw = _CH * m
    bw = n * m
    mesh = plsc.VectorSubcoreMesh(core_axis_name="c", subcore_axis_name="s",
                                  num_cores=2, num_subcores=16)
    cp = pltpu.CompilerParams()
    if "needs_layout_passes" in pltpu.CompilerParams.__dataclass_fields__:
        cp = dataclasses.replace(cp, needs_layout_passes=False)
    if "use_tc_tiling_on_sc" in pltpu.CompilerParams.__dataclass_fields__:
        cp = dataclasses.replace(cp, use_tc_tiling_on_sc=False)

    @functools.partial(
        pl.kernel,
        compiler_params=cp,
        out_type=jax.ShapeDtypeStruct((n_workers * bw,), jnp.float32),
        mesh=mesh,
        scratch_types=[
            pltpu.VMEM((cw,), jnp.float32),
            pltpu.VMEM((cw,), jnp.float32),
            pltpu.VMEM((cw,), jnp.float32),
            pltpu.VMEM((16,), jnp.float32),
            pltpu.VMEM((16,), jnp.float32),
            pltpu.VMEM((16,), jnp.int32),
            pltpu.SemaphoreType.DMA,
            pltpu.SemaphoreType.DMA,
            pltpu.SemaphoreType.DMA,
        ],
    )
    def k(x_hbm, o_hbm, buf0, buf1, zbuf, ones, gmax, gidx,
          rsem, zsem, ssem):
        big = jnp.int32(1 << 30)
        wid = lax.axis_index("s") * 2 + lax.axis_index("c")
        base = wid * bw

        zrow = jnp.zeros((16,), jnp.float32)

        @pl.loop(0, _CH)
        def _(r):
            zbuf[pl.ds(r * 16, 16)] = zrow

        ones[...] = jnp.full((16,), 1.0, jnp.float32)
        gmax[...] = jnp.full((16,), -jnp.inf, jnp.float32)
        gidx[...] = jnp.zeros((16,), jnp.int32)

        def process(buf, c):
            chunk_base = c * _CH

            neg = jnp.full((16,), -jnp.inf, jnp.float32)

            def body_a(t, accs):
                r = t * 128
                return tuple(
                    jnp.maximum(accs[i], buf[pl.ds(r + i * 16, 16)])
                    for i in range(8))

            accs = lax.fori_loop(0, _CH // 8, body_a, (neg,) * 8)
            cmx = accs[0]
            for i in range(1, 8):
                cmx = jnp.maximum(cmx, accs[i])

            gm = gmax[...]
            better = cmx > gm

            @pl.when(jnp.any(better))
            def _():
                def body_b(t, bidx):
                    eqm = buf[pl.ds(t * 16, 16)] == cmx
                    rfull = jnp.full((16,), t, jnp.int32)
                    return jnp.minimum(bidx, jnp.where(eqm, rfull, big))

                bidx = lax.fori_loop(0, _CH, body_b,
                                     jnp.full((16,), big, jnp.int32))
                gmax[...] = jnp.where(better, cmx, gm)
                gidx[...] = jnp.where(better, bidx + chunk_base, gidx[...])

        pltpu.async_copy(x_hbm.at[pl.ds(base, cw)], buf0, rsem)
        pltpu.async_copy(x_hbm.at[pl.ds(base + cw, cw)], buf1, rsem)

        @pl.loop(0, nch // 2)
        def _(g):
            c0 = g * 2
            pltpu.async_copy(
                zbuf, o_hbm.at[pl.ds(base + c0 * cw, cw)], zsem)
            pltpu.async_copy(
                zbuf, o_hbm.at[pl.ds(base + (c0 + 1) * cw, cw)], zsem)
            pltpu.make_async_copy(
                x_hbm.at[pl.ds(base, cw)], buf0, rsem).wait()
            process(buf0, c0)

            @pl.when(g < nch // 2 - 1)
            def _():
                pltpu.async_copy(
                    x_hbm.at[pl.ds(base + (c0 + 2) * cw, cw)], buf0, rsem)

            pltpu.make_async_copy(
                x_hbm.at[pl.ds(base, cw)], buf1, rsem).wait()
            process(buf1, c0 + 1)

            @pl.when(g < nch // 2 - 1)
            def _():
                pltpu.async_copy(
                    x_hbm.at[pl.ds(base + (c0 + 3) * cw, cw)], buf1, rsem)

        wvec = (gidx[...] + wid * n) * m + lax.iota(jnp.int32, 16)

        @pl.loop(0, nch)
        def _(c):
            pltpu.make_async_copy(
                zbuf, o_hbm.at[pl.ds(base, cw)], zsem).wait()

        pltpu.async_copy(ones, o_hbm.at[wvec], ssem).wait()

    return k


def kernel(x):
    b, n, m = x.shape
    out = _sc_hardmax(n, m, b)(x.reshape(b * n * m))
    return out.reshape(b, n, m)

# --- scband reference (transcript-rebuilt; emitter-appended) ---
"""Pipeline reference for scband-hardmax-37452114821963 (READ-ONLY COPY).

The authoritative reference and input builder live on the scoring server;
editing this copy changes nothing except your own understanding.
"""

import jax, jax.numpy as jnp
import numpy as np

def setup_inputs(seed: int = 0) -> dict:
    key = jax.random.key(seed)
    x = jax.random.normal(key, (32, 32768, 16), dtype=jnp.float32)
    return {"x": x}

def reference(x):
    # Hardmax: argmax over dim=-2, one_hot with num_classes = x.shape[-2],
    # then transpose(-2, -1) -> same shape as x.
    n = x.shape[-2]
    argmax = jnp.argmax(x, axis=-2)                      # [..., M]
    onehot = (argmax[..., None] == jnp.arange(n)).astype(jnp.float32)  # [..., M, N]
    return jnp.swapaxes(onehot, -2, -1)                  # [..., N, M]

if __name__ == "__main__":
    import jax
    _d = setup_inputs()
    print(jax.jit(kernel)(*tuple(_d.values())))

</pallas_src>

<mosaic_0001>
#map = affine_map<(d0, d1) -> (0)>
module attributes {stable_mosaic.version = 14 : i64} {
  func.func @k(%arg0: i32, %arg1: i32, %arg2: memref<16777216xf32, #tpu.memory_space<hbm>>, %arg3: memref<16777216xf32, #tpu.memory_space<hbm>>, %arg4: memref<4096xf32, #tpu.memory_space<vmem>>, %arg5: memref<4096xf32, #tpu.memory_space<vmem>>, %arg6: memref<4096xf32, #tpu.memory_space<vmem>>, %arg7: memref<16xf32, #tpu.memory_space<vmem>>, %arg8: memref<16xf32, #tpu.memory_space<vmem>>, %arg9: memref<16xi32, #tpu.memory_space<vmem>>, %arg10: memref<!tpu.dma_semaphore, #tpu.memory_space<semaphore_mem>>, %arg11: memref<!tpu.dma_semaphore, #tpu.memory_space<semaphore_mem>>, %arg12: memref<!tpu.dma_semaphore, #tpu.memory_space<semaphore_mem>>) attributes {dimension_semantics = [#tpu.dimension_semantics<core_parallel>, #tpu.dimension_semantics<subcore_parallel>], iteration_bounds = array<i64: 2, 16>, scalar_prefetch = 0 : i64, scratch_operands = 9 : i64, tpu.core_type = #tpu.core_type<sc_vector_subcore>, window_params = [{transform_indices = #map}, {transform_indices = #map}]} {
    %mul3A = arith.constant 2 : i32
    %mul3A_0 = arith.muli %arg1, %mul3A : i32
    %add3A = arith.addi %mul3A_0, %arg0 : i32
    %mul3A_1 = arith.constant 524288 : i32
    %mul3A_2 = arith.muli %add3A, %mul3A_1 : i32
    %broadcast_in_dim3A = arith.constant 0.000000e+00 : f32
    %broadcast_in_dim3A_3 = vector.broadcast %broadcast_in_dim3A : f32 to vector<16xf32>
    %scan3A = arith.constant 0 : i32
    %scan3A_4 = arith.constant 256 : i32
    %scan3A_5 = arith.addi %scan3A, %scan3A_4 : i32
    %scan3A_6 = arith.constant 1 : i32
    scf.for %scan3A_47 = %scan3A to %scan3A_5 step %scan3A_6  : i32 {
      %mul3A_48 = arith.constant 1 : i32
      %mul3A_49 = arith.muli %scan3A_47, %mul3A_48 : i32
      %add3A_50 = arith.constant 0 : i32
      %add3A_51 = arith.addi %add3A_50, %mul3A_49 : i32
      %mul3A_52 = arith.constant 16 : i32
      %mul3A_53 = arith.muli %add3A_51, %mul3A_52 : i32
      %swap3A_54 = arith.index_cast %mul3A_53 : i32 to index
      %swap3A_55 = tpu.vector_load %arg6[%swap3A_54] {strides = array<i32>} : memref<4096xf32, #tpu.memory_space<vmem>>, vector<16xf32>,
      tpu.vector_store %arg6[%swap3A_54], %broadcast_in_dim3A_3 {strides = array<i32>} : memref<4096xf32, #tpu.memory_space<vmem>>, vector<16xf32>,
    }
    %scan3A_7 = arith.constant 256 : i32
    %broadcast_in_dim3A_8 = arith.constant 1.000000e+00 : f32
    %broadcast_in_dim3A_9 = vector.broadcast %broadcast_in_dim3A_8 : f32 to vector<16xf32>
    %swap3A = arith.constant 0 : index
    %swap3A_10 = tpu.vector_load %arg7[%swap3A] {strides = array<i32>} : memref<16xf32, #tpu.memory_space<vmem>>, vector<16xf32>,
    tpu.vector_store %arg7[%swap3A], %broadcast_in_dim3A_9 {strides = array<i32>} : memref<16xf32, #tpu.memory_space<vmem>>, vector<16xf32>,
    %broadcast_in_dim3A_11 = arith.constant 0xFF800000 : f32
    %broadcast_in_dim3A_12 = vector.broadcast %broadcast_in_dim3A_11 : f32 to vector<16xf32>
    %swap3A_13 = arith.constant 0 : index
    %swap3A_14 = tpu.vector_load %arg8[%swap3A_13] {strides = array<i32>} : memref<16xf32, #tpu.memory_space<vmem>>, vector<16xf32>,
    tpu.vector_store %arg8[%swap3A_13], %broadcast_in_dim3A_12 {strides = array<i32>} : memref<16xf32, #tpu.memory_space<vmem>>, vector<16xf32>,
    %broadcast_in_dim3A_15 = arith.constant 0 : i32
    %broadcast_in_dim3A_16 = vector.broadcast %broadcast_in_dim3A_15 : i32 to vector<16xi32>
    %swap3A_17 = arith.constant 0 : index
    %swap3A_18 = tpu.vector_load %arg9[%swap3A_17] {strides = array<i32>} : memref<16xi32, #tpu.memory_space<vmem>>, vector<16xi32>,
    tpu.vector_store %arg9[%swap3A_17], %broadcast_in_dim3A_16 {strides = array<i32>} : memref<16xi32, #tpu.memory_space<vmem>>, vector<16xi32>,
    %dma_start3A = tpu.memref_slice %arg2[%mul3A_2] : memref<16777216xf32, #tpu.memory_space<hbm>> -> memref<4096xf32, #tpu.memory_space<hbm>>
    %dma_start3A_19 = tpu.memref_slice %arg2[%mul3A_2] : memref<16777216xf32, #tpu.memory_space<hbm>> -> memref<4096xf32, #tpu.memory_space<hbm>>
    tpu.enqueue_dma source(%dma_start3A_19 : memref<4096xf32, #tpu.memory_space<hbm>>) target(%arg4 : memref<4096xf32, #tpu.memory_space<vmem>>) target_semaphore(%arg10 : memref<!tpu.dma_semaphore, #tpu.memory_space<semaphore_mem>>)
    %add3A_20 = arith.constant 4096 : i32
    %add3A_21 = arith.addi %mul3A_2, %add3A_20 : i32
    %dma_start3A_22 = tpu.memref_slice %arg2[%add3A_21] : memref<16777216xf32, #tpu.memory_space<hbm>> -> memref<4096xf32, #tpu.memory_space<hbm>>
    %dma_start3A_23 = tpu.memref_slice %arg2[%add3A_21] : memref<16777216xf32, #tpu.memory_space<hbm>> -> memref<4096xf32, #tpu.memory_space<hbm>>
    tpu.enqueue_dma source(%dma_start3A_23 : memref<4096xf32, #tpu.memory_space<hbm>>) target(%arg5 : memref<4096xf32, #tpu.memory_space<vmem>>) target_semaphore(%arg10 : memref<!tpu.dma_semaphore, #tpu.memory_space<semaphore_mem>>)
    %scan3A_24 = arith.constant 1073741824 : i32
    %scan3A_25 = arith.constant 0 : i32
    %scan3A_26 = arith.constant 64 : i32
    %scan3A_27 = arith.addi %scan3A_25, %scan3A_26 : i32
    %scan3A_28 = arith.constant 1 : i32
    scf.for %scan3A_47 = %scan3A_25 to %scan3A_27 step %scan3A_28  : i32 {
      %mul3A_48 = arith.constant 1 : i32
      %mul3A_49 = arith.muli %scan3A_47, %mul3A_48 : i32
      %add3A_50 = arith.constant 0 : i32
      %add3A_51 = arith.addi %add3A_50, %mul3A_49 : i32
      %mul3A_52 = arith.constant 2 : i32
      %mul3A_53 = arith.muli %add3A_51, %mul3A_52 : i32
      %mul3A_54 = arith.constant 4096 : i32
      %mul3A_55 = arith.muli %mul3A_53, %mul3A_54 : i32
      %add3A_56 = arith.addi %mul3A_2, %mul3A_55 : i32
      %dma_start3A_57 = tpu.memref_slice %arg3[%add3A_56] : memref<16777216xf32, #tpu.memory_space<hbm>> -> memref<4096xf32, #tpu.memory_space<hbm>>
      %dma_start3A_58 = tpu.memref_slice %arg3[%add3A_56] : memref<16777216xf32, #tpu.memory_space<hbm>> -> memref<4096xf32, #tpu.memory_space<hbm>>
      tpu.enqueue_dma source(%arg6 : memref<4096xf32, #tpu.memory_space<vmem>>) target(%dma_start3A_58 : memref<4096xf32, #tpu.memory_space<hbm>>) target_semaphore(%arg11 : memref<!tpu.dma_semaphore, #tpu.memory_space<semaphore_mem>>)
      %add3A_59 = arith.constant 1 : i32
      %add3A_60 = arith.addi %mul3A_53, %add3A_59 : i32
      %mul3A_61 = arith.constant 4096 : i32
      %mul3A_62 = arith.muli %add3A_60, %mul3A_61 : i32
      %add3A_63 = arith.addi %mul3A_2, %mul3A_62 : i32
      %dma_start3A_64 = tpu.memref_slice %arg3[%add3A_63] : memref<16777216xf32, #tpu.memory_space<hbm>> -> memref<4096xf32, #tpu.memory_space<hbm>>
      %dma_start3A_65 = tpu.memref_slice %arg3[%add3A_63] : memref<16777216xf32, #tpu.memory_space<hbm>> -> memref<4096xf32, #tpu.memory_space<hbm>>
      tpu.enqueue_dma source(%arg6 : memref<4096xf32, #tpu.memory_space<vmem>>) target(%dma_start3A_65 : memref<4096xf32, #tpu.memory_space<hbm>>) target_semaphore(%arg11 : memref<!tpu.dma_semaphore, #tpu.memory_space<semaphore_mem>>)
      %dma_wait3A_66 = tpu.memref_slice %arg2[%mul3A_2] : memref<16777216xf32, #tpu.memory_space<hbm>> -> memref<4096xf32, #tpu.memory_space<hbm>>
      %dma_wait3A_67 = tpu.memref_slice %arg2[%mul3A_2] : memref<16777216xf32, #tpu.memory_space<hbm>> -> memref<4096xf32, #tpu.memory_space<hbm>>
      tpu.wait_dma2 semaphore(%arg10 : memref<!tpu.dma_semaphore, #tpu.memory_space<semaphore_mem>>) src(%dma_wait3A_67 : memref<4096xf32, #tpu.memory_space<hbm>>) dst(%arg4 : memref<4096xf32, #tpu.memory_space<vmem>>)
      %mul3A_68 = arith.constant 256 : i32
      %mul3A_69 = arith.muli %mul3A_53, %mul3A_68 : i32
      %broadcast_in_dim3A_70 = arith.constant 0xFF800000 : f32
      %broadcast_in_dim3A_71 = vector.broadcast %broadcast_in_dim3A_70 : f32 to vector<16xf32>
      %scan3A_72 = arith.constant 0 : i32
      %scan3A_73 = arith.constant 32 : i32
      %scan3A_74 = arith.addi %scan3A_72, %scan3A_73 : i32
      %scan3A_75 = arith.constant 1 : i32
      %scan3A_76:8 = scf.for %scan3A_144 = %scan3A_72 to %scan3A_74 step %scan3A_75 iter_args(%scan3A_145 = %broadcast_in_dim3A_71, %scan3A_146 = %broadcast_in_dim3A_71, %scan3A_147 = %broadcast_in_dim3A_71, %scan3A_148 = %broadcast_in_dim3A_71, %scan3A_149 = %broadcast_in_dim3A_71, %scan3A_150 = %broadcast_in_dim3A_71, %scan3A_151 = %broadcast_in_dim3A_71, %scan3A_152 = %broadcast_in_dim3A_71) -> (vector<16xf32>, vector<16xf32>, vector<16xf32>, vector<16xf32>, vector<16xf32>, vector<16xf32>, vector<16xf32>, vector<16xf32>)  : i32 {
        %mul3A_153 = arith.constant 128 : i32
        %mul3A_154 = arith.muli %scan3A_144, %mul3A_153 : i32
        %add3A_155 = arith.constant 0 : i32
        %add3A_156 = arith.addi %mul3A_154, %add3A_155 : i32
        %get3A_157 = arith.index_cast %add3A_156 : i32 to index
        %get3A_158 = tpu.vector_load %arg4[%get3A_157] {strides = array<i32>} : memref<4096xf32, #tpu.memory_space<vmem>>, vector<16xf32>,
        %max3A_159 = arith.maximumf %scan3A_145, %get3A_158 : vector<16xf32>
        %add3A_160 = arith.constant 16 : i32
        %add3A_161 = arith.addi %mul3A_154, %add3A_160 : i32
        %get3A_162 = arith.index_cast %add3A_161 : i32 to index
        %get3A_163 = tpu.vector_load %arg4[%get3A_162] {strides = array<i32>} : memref<4096xf32, #tpu.memory_space<vmem>>, vector<16xf32>,
        %max3A_164 = arith.maximumf %scan3A_146, %get3A_163 : vector<16xf32>
        %add3A_165 = arith.constant 32 : i32
        %add3A_166 = arith.addi %mul3A_154, %add3A_165 : i32
        %get3A_167 = arith.index_cast %add3A_166 : i32 to index
        %get3A_168 = tpu.vector_load %arg4[%get3A_167] {strides = array<i32>} : memref<4096xf32, #tpu.memory_space<vmem>>, vector<16xf32>,
        %max3A_169 = arith.maximumf %scan3A_147, %get3A_168 : vector<16xf32>
        %add3A_170 = arith.constant 48 : i32
        %add3A_171 = arith.addi %mul3A_154, %add3A_170 : i32
        %get3A_172 = arith.index_cast %add3A_171 : i32 to index
        %get3A_173 = tpu.vector_load %arg4[%get3A_172] {strides = array<i32>} : memref<4096xf32, #tpu.memory_space<vmem>>, vector<16xf32>,
        %max3A_174 = arith.maximumf %scan3A_148, %get3A_173 : vector<16xf32>
        %add3A_175 = arith.constant 64 : i32
        %add3A_176 = arith.addi %mul3A_154, %add3A_175 : i32
        %get3A_177 = arith.index_cast %add3A_176 : i32 to index
        %get3A_178 = tpu.vector_load %arg4[%get3A_177] {strides = array<i32>} : memref<4096xf32, #tpu.memory_space<vmem>>, vector<16xf32>,
        %max3A_179 = arith.maximumf %scan3A_149, %get3A_178 : vector<16xf32>
        %add3A_180 = arith.constant 80 : i32
        %add3A_181 = arith.addi %mul3A_154, %add3A_180 : i32
        %get3A_182 = arith.index_cast %add3A_181 : i32 to index
        %get3A_183 = tpu.vector_load %arg4[%get3A_182] {strides = array<i32>} : memref<4096xf32, #tpu.memory_space<vmem>>, vector<16xf32>,
        %max3A_184 = arith.maximumf %scan3A_150, %get3A_183 : vector<16xf32>
        %add3A_185 = arith.constant 96 : i32
        %add3A_186 = arith.addi %mul3A_154, %add3A_185 : i32
        %get3A_187 = arith.index_cast %add3A_186 : i32 to index
        %get3A_188 = tpu.vector_load %arg4[%get3A_187] {strides = array<i32>} : memref<4096xf32, #tpu.memory_space<vmem>>, vector<16xf32>,
        %max3A_189 = arith.maximumf %scan3A_151, %get3A_188 : vector<16xf32>
        %add3A_190 = arith.constant 112 : i32
        %add3A_191 = arith.addi %mul3A_154, %add3A_190 : i32
        %get3A_192 = arith.index_cast %add3A_191 : i32 to index
        %get3A_193 = tpu.vector_load %arg4[%get3A_192] {strides = array<i32>} : memref<4096xf32, #tpu.memory_space<vmem>>, vector<16xf32>,
        %max3A_194 = arith.maximumf %scan3A_152, %get3A_193 : vector<16xf32>
        scf.yield %max3A_159, %max3A_164, %max3A_169, %max3A_174, %max3A_179, %max3A_184, %max3A_189, %max3A_194 : vector<16xf32>, vector<16xf32>, vector<16xf32>, vector<16xf32>, vector<16xf32>, vector<16xf32>, vector<16xf32>, vector<16xf32>
      }
      %scan3A_77 = arith.constant 32 : i32
      %max3A = arith.maximumf %scan3A_76#0, %scan3A_76#1 : vector<16xf32>
      %max3A_78 = arith.maximumf %max3A, %scan3A_76#2 : vector<16xf32>
      %max3A_79 = arith.maximumf %max3A_78, %scan3A_76#3 : vector<16xf32>
      %max3A_80 = arith.maximumf %max3A_79, %scan3A_76#4 : vector<16xf32>
      %max3A_81 = arith.maximumf %max3A_80, %scan3A_76#5 : vector<16xf32>
      %max3A_82 = arith.maximumf %max3A_81, %scan3A_76#6 : vector<16xf32>
      %max3A_83 = arith.maximumf %max3A_82, %scan3A_76#7 : vector<16xf32>
      %get3A_84 = arith.constant 0 : index
      %get3A_85 = tpu.vector_load %arg8[%get3A_84] {strides = array<i32>} : memref<16xf32, #tpu.memory_space<vmem>>, vector<16xf32>,
      %gt3A = arith.cmpf ogt, %max3A_83, %get3A_85 : vector<16xf32>
      %reduce_or3A = arith.constant 1.000000e+00 : f32
      %reduce_or3A_86 = arith.constant 0.000000e+00 : f32
      %reduce_or3A_87 = vector.broadcast %reduce_or3A : f32 to vector<16xf32>
      %reduce_or3A_88 = vector.broadcast %reduce_or3A_86 : f32 to vector<16xf32>
      %reduce_or3A_89 = arith.select %gt3A, %reduce_or3A_87, %reduce_or3A_88 : vector<16xi1>, vector<16xf32>
      %reduce_or3A_90 = arith.constant true
      %reduce_or3A_91 = vector.broadcast %reduce_or3A_90 : i1 to vector<16xi1>
      %reduce_or3A_92 = tpu.scan <max>, %reduce_or3A_89 masked %reduce_or3A_91 : vector<16xf32>, vector<16xi1> -> vector<16xf32>
      %reduce_or3A_93 = vector.extract %reduce_or3A_92[15] : f32 from vector<16xf32>
      %reduce_or3A_94 = arith.constant 0.000000e+00 : f32
      %reduce_or3A_95 = arith.cmpf ogt, %reduce_or3A_93, %reduce_or3A_94 : f32
      %convert_element_type3A = arith.extui %reduce_or3A_95 : i1 to i32
      %cond3A = arith.constant 0 : i32
      %cond3A_96 = arith.cmpi ne, %convert_element_type3A, %cond3A : i32
      scf.if %cond3A_96 {
        %broadcast_in_dim3A_144 = vector.broadcast %scan3A_24 : i32 to vector<16xi32>
        %scan3A_145 = arith.constant 0 : i32
        %scan3A_146 = arith.constant 256 : i32
        %scan3A_147 = arith.addi %scan3A_145, %scan3A_146 : i32
        %scan3A_148 = arith.constant 1 : i32
        %scan3A_149 = scf.for %scan3A_160 = %scan3A_145 to %scan3A_147 step %scan3A_148 iter_args(%scan3A_161 = %broadcast_in_dim3A_144) -> (vector<16xi32>)  : i32 {
          %mul3A_162 = arith.constant 16 : i32
          %mul3A_163 = arith.muli %scan3A_160, %mul3A_162 : i32
          %get3A_164 = arith.index_cast %mul3A_163 : i32 to index
          %get3A_165 = tpu.vector_load %arg4[%get3A_164] {strides = array<i32>} : memref<4096xf32, #tpu.memory_space<vmem>>, vector<16xf32>,
          %eq3A = arith.cmpf oeq, %get3A_165, %max3A_83 : vector<16xf32>
          %broadcast_in_dim3A_166 = vector.broadcast %scan3A_160 : i32 to vector<16xi32>
          %broadcast_in_dim3A_167 = vector.broadcast %scan3A_24 : i32 to vector<16xi32>
          %select_n3A_168 = arith.select %eq3A, %broadcast_in_dim3A_166, %broadcast_in_dim3A_167 : vector<16xi1>, vector<16xi32>
          %min3A = arith.minsi %scan3A_161, %select_n3A_168 : vector<16xi32>
          scf.yield %min3A : vector<16xi32>
        }
        %scan3A_150 = arith.constant 256 : i32
        %select_n3A = arith.select %gt3A, %max3A_83, %get3A_85 : vector<16xi1>, vector<16xf32>
        %swap3A_151 = arith.constant 0 : index
        %swap3A_152 = tpu.vector_load %arg8[%swap3A_151] {strides = array<i32>} : memref<16xf32, #tpu.memory_space<vmem>>, vector<16xf32>,
        tpu.vector_store %arg8[%swap3A_151], %select_n3A {strides = array<i32>} : memref<16xf32, #tpu.memory_space<vmem>>, vector<16xf32>,
        %add3A_153 = vector.broadcast %mul3A_69 : i32 to vector<16xi32>
        %add3A_154 = arith.addi %scan3A_149, %add3A_153 : vector<16xi32>
        %get3A_155 = arith.constant 0 : index
        %get3A_156 = tpu.vector_load %arg9[%get3A_155] {strides = array<i32>} : memref<16xi32, #tpu.memory_space<vmem>>, vector<16xi32>,
        %select_n3A_157 = arith.select %gt3A, %add3A_154, %get3A_156 : vector<16xi1>, vector<16xi32>
        %swap3A_158 = arith.constant 0 : index
        %swap3A_159 = tpu.vector_load %arg9[%swap3A_158] {strides = array<i32>} : memref<16xi32, #tpu.memory_space<vmem>>, vector<16xi32>,
        tpu.vector_store %arg9[%swap3A_158], %select_n3A_157 {strides = array<i32>} : memref<16xi32, #tpu.memory_space<vmem>>, vector<16xi32>,
      } else {
      }
      %lt3A = arith.constant 63 : i32
      %lt3A_97 = arith.cmpi slt, %add3A_51, %lt3A : i32
      %convert_element_type3A_98 = arith.extui %lt3A_97 : i1 to i32
      %cond3A_99 = arith.constant 0 : i32
      %cond3A_100 = arith.cmpi ne, %convert_element_type3A_98, %cond3A_99 : i32
      scf.if %cond3A_100 {
        %add3A_144 = arith.constant 2 : i32
        %add3A_145 = arith.addi %mul3A_53, %add3A_144 : i32
        %mul3A_146 = arith.constant 4096 : i32
        %mul3A_147 = arith.muli %add3A_145, %mul3A_146 : i32
        %add3A_148 = arith.addi %mul3A_2, %mul3A_147 : i32
        %dma_start3A_149 = tpu.memref_slice %arg2[%add3A_148] : memref<16777216xf32, #tpu.memory_space<hbm>> -> memref<4096xf32, #tpu.memory_space<hbm>>
        %dma_start3A_150 = tpu.memref_slice %arg2[%add3A_148] : memref<16777216xf32, #tpu.memory_space<hbm>> -> memref<4096xf32, #tpu.memory_space<hbm>>
        tpu.enqueue_dma source(%dma_start3A_150 : memref<4096xf32, #tpu.memory_space<hbm>>) target(%arg4 : memref<4096xf32, #tpu.memory_space<vmem>>) target_semaphore(%arg10 : memref<!tpu.dma_semaphore, #tpu.memory_space<semaphore_mem>>)
      } else {
      }
      %dma_wait3A_101 = tpu.memref_slice %arg2[%mul3A_2] : memref<16777216xf32, #tpu.memory_space<hbm>> -> memref<4096xf32, #tpu.memory_space<hbm>>
      %dma_wait3A_102 = tpu.memref_slice %arg2[%mul3A_2] : memref<16777216xf32, #tpu.memory_space<hbm>> -> memref<4096xf32, #tpu.memory_space<hbm>>
      tpu.wait_dma2 semaphore(%arg10 : memref<!tpu.dma_semaphore, #tpu.memory_space<semaphore_mem>>) src(%dma_wait3A_102 : memref<4096xf32, #tpu.memory_space<hbm>>) dst(%arg5 : memref<4096xf32, #tpu.memory_space<vmem>>)
      %add3A_103 = arith.constant 1 : i32
      %add3A_104 = arith.addi %mul3A_53, %add3A_103 : i32
      %mul3A_105 = arith.constant 256 : i32
      %mul3A_106 = arith.muli %add3A_104, %mul3A_105 : i32
      %broadcast_in_dim3A_107 = arith.constant 0xFF800000 : f32
      %broadcast_in_dim3A_108 = vector.broadcast %broadcast_in_dim3A_107 : f32 to vector<16xf32>
      %scan3A_109 = arith.constant 0 : i32
      %scan3A_110 = arith.constant 32 : i32
      %scan3A_111 = arith.addi %scan3A_109, %scan3A_110 : i32
      %scan3A_112 = arith.constant 1 : i32
      %scan3A_113:8 = scf.for %scan3A_144 = %scan3A_109 to %scan3A_111 step %scan3A_112 iter_args(%scan3A_145 = %broadcast_in_dim3A_108, %scan3A_146 = %broadcast_in_dim3A_108, %scan3A_147 = %broadcast_in_dim3A_108, %scan3A_148 = %broadcast_in_dim3A_108, %scan3A_149 = %broadcast_in_dim3A_108, %scan3A_150 = %broadcast_in_dim3A_108, %scan3A_151 = %broadcast_in_dim3A_108, %scan3A_152 = %broadcast_in_dim3A_108) -> (vector<16xf32>, vector<16xf32>, vector<16xf32>, vector<16xf32>, vector<16xf32>, vector<16xf32>, vector<16xf32>, vector<16xf32>)  : i32 {
        %mul3A_153 = arith.constant 128 : i32
        %mul3A_154 = arith.muli %scan3A_144, %mul3A_153 : i32
        %add3A_155 = arith.constant 0 : i32
        %add3A_156 = arith.addi %mul3A_154, %add3A_155 : i32
        %get3A_157 = arith.index_cast %add3A_156 : i32 to index
        %get3A_158 = tpu.vector_load %arg5[%get3A_157] {strides = array<i32>} : memref<4096xf32, #tpu.memory_space<vmem>>, vector<16xf32>,
        %max3A_159 = arith.maximumf %scan3A_145, %get3A_158 : vector<16xf32>
        %add3A_160 = arith.constant 16 : i32
        %add3A_161 = arith.addi %mul3A_154, %add3A_160 : i32
        %get3A_162 = arith.index_cast %add3A_161 : i32 to index
        %get3A_163 = tpu.vector_load %arg5[%get3A_162] {strides = array<i32>} : memref<4096xf32, #tpu.memory_space<vmem>>, vector<16xf32>,
        %max3A_164 = arith.maximumf %scan3A_146, %get3A_163 : vector<16xf32>
        %add3A_165 = arith.constant 32 : i32
        %add3A_166 = arith.addi %mul3A_154, %add3A_165 : i32
        %get3A_167 = arith.index_cast %add3A_166 : i32 to index
        %get3A_168 = tpu.vector_load %arg5[%get3A_167] {strides = array<i32>} : memref<4096xf32, #tpu.memory_space<vmem>>, vector<16xf32>,
        %max3A_169 = arith.maximumf %scan3A_147, %get3A_168 : vector<16xf32>
        %add3A_170 = arith.constant 48 : i32
        %add3A_171 = arith.addi %mul3A_154, %add3A_170 : i32
        %get3A_172 = arith.index_cast %add3A_171 : i32 to index
        %get3A_173 = tpu.vector_load %arg5[%get3A_172] {strides = array<i32>} : memref<4096xf32, #tpu.memory_space<vmem>>, vector<16xf32>,
        %max3A_174 = arith.maximumf %scan3A_148, %get3A_173 : vector<16xf32>
        %add3A_175 = arith.constant 64 : i32
        %add3A_176 = arith.addi %mul3A_154, %add3A_175 : i32
        %get3A_177 = arith.index_cast %add3A_176 : i32 to index
        %get3A_178 = tpu.vector_load %arg5[%get3A_177] {strides = array<i32>} : memref<4096xf32, #tpu.memory_space<vmem>>, vector<16xf32>,
        %max3A_179 = arith.maximumf %scan3A_149, %get3A_178 : vector<16xf32>
        %add3A_180 = arith.constant 80 : i32
        %add3A_181 = arith.addi %mul3A_154, %add3A_180 : i32
        %get3A_182 = arith.index_cast %add3A_181 : i32 to index
        %get3A_183 = tpu.vector_load %arg5[%get3A_182] {strides = array<i32>} : memref<4096xf32, #tpu.memory_space<vmem>>, vector<16xf32>,
        %max3A_184 = arith.maximumf %scan3A_150, %get3A_183 : vector<16xf32>
        %add3A_185 = arith.constant 96 : i32
        %add3A_186 = arith.addi %mul3A_154, %add3A_185 : i32
        %get3A_187 = arith.index_cast %add3A_186 : i32 to index
        %get3A_188 = tpu.vector_load %arg5[%get3A_187] {strides = array<i32>} : memref<4096xf32, #tpu.memory_space<vmem>>, vector<16xf32>,
        %max3A_189 = arith.maximumf %scan3A_151, %get3A_188 : vector<16xf32>
        %add3A_190 = arith.constant 112 : i32
        %add3A_191 = arith.addi %mul3A_154, %add3A_190 : i32
        %get3A_192 = arith.index_cast %add3A_191 : i32 to index
        %get3A_193 = tpu.vector_load %arg5[%get3A_192] {strides = array<i32>} : memref<4096xf32, #tpu.memory_space<vmem>>, vector<16xf32>,
        %max3A_194 = arith.maximumf %scan3A_152, %get3A_193 : vector<16xf32>
        scf.yield %max3A_159, %max3A_164, %max3A_169, %max3A_174, %max3A_179, %max3A_184, %max3A_189, %max3A_194 : vector<16xf32>, vector<16xf32>, vector<16xf32>, vector<16xf32>, vector<16xf32>, vector<16xf32>, vector<16xf32>, vector<16xf32>
      }
      %scan3A_114 = arith.constant 32 : i32
      %max3A_115 = arith.maximumf %scan3A_113#0, %scan3A_113#1 : vector<16xf32>
      %max3A_116 = arith.maximumf %max3A_115, %scan3A_113#2 : vector<16xf32>
      %max3A_117 = arith.maximumf %max3A_116, %scan3A_113#3 : vector<16xf32>
      %max3A_118 = arith.maximumf %max3A_117, %scan3A_113#4 : vector<16xf32>
      %max3A_119 = arith.maximumf %max3A_118, %scan3A_113#5 : vector<16xf32>
      %max3A_120 = arith.maximumf %max3A_119, %scan3A_113#6 : vector<16xf32>
      %max3A_121 = arith.maximumf %max3A_120, %scan3A_113#7 : vector<16xf32>
      %get3A_122 = arith.constant 0 : index
      %get3A_123 = tpu.vector_load %arg8[%get3A_122] {strides = array<i32>} : memref<16xf32, #tpu.memory_space<vmem>>, vector<16xf32>,
      %gt3A_124 = arith.cmpf ogt, %max3A_121, %get3A_123 : vector<16xf32>
      %reduce_or3A_125 = arith.constant 1.000000e+00 : f32
      %reduce_or3A_126 = arith.constant 0.000000e+00 : f32
      %reduce_or3A_127 = vector.broadcast %reduce_or3A_125 : f32 to vector<16xf32>
      %reduce_or3A_128 = vector.broadcast %reduce_or3A_126 : f32 to vector<16xf32>
      %reduce_or3A_129 = arith.select %gt3A_124, %reduce_or3A_127, %reduce_or3A_128 : vector<16xi1>, vector<16xf32>
      %reduce_or3A_130 = arith.constant true
      %reduce_or3A_131 = vector.broadcast %reduce_or3A_130 : i1 to vector<16xi1>
      %reduce_or3A_132 = tpu.scan <max>, %reduce_or3A_129 masked %reduce_or3A_131 : vector<16xf32>, vector<16xi1> -> vector<16xf32>
      %reduce_or3A_133 = vector.extract %reduce_or3A_132[15] : f32 from vector<16xf32>
      %reduce_or3A_134 = arith.constant 0.000000e+00 : f32
      %reduce_or3A_135 = arith.cmpf ogt, %reduce_or3A_133, %reduce_or3A_134 : f32
      %convert_element_type3A_136 = arith.extui %reduce_or3A_135 : i1 to i32
      %cond3A_137 = arith.constant 0 : i32
      %cond3A_138 = arith.cmpi ne, %convert_element_type3A_136, %cond3A_137 : i32
      scf.if %cond3A_138 {
        %broadcast_in_dim3A_144 = vector.broadcast %scan3A_24 : i32 to vector<16xi32>
        %scan3A_145 = arith.constant 0 : i32
        %scan3A_146 = arith.constant 256 : i32
        %scan3A_147 = arith.addi %scan3A_145, %scan3A_146 : i32
        %scan3A_148 = arith.constant 1 : i32
        %scan3A_149 = scf.for %scan3A_160 = %scan3A_145 to %scan3A_147 step %scan3A_148 iter_args(%scan3A_161 = %broadcast_in_dim3A_144) -> (vector<16xi32>)  : i32 {
          %mul3A_162 = arith.constant 16 : i32
          %mul3A_163 = arith.muli %scan3A_160, %mul3A_162 : i32
          %get3A_164 = arith.index_cast %mul3A_163 : i32 to index
          %get3A_165 = tpu.vector_load %arg5[%get3A_164] {strides = array<i32>} : memref<4096xf32, #tpu.memory_space<vmem>>, vector<16xf32>,
          %eq3A = arith.cmpf oeq, %get3A_165, %max3A_121 : vector<16xf32>
          %broadcast_in_dim3A_166 = vector.broadcast %scan3A_160 : i32 to vector<16xi32>
          %broadcast_in_dim3A_167 = vector.broadcast %scan3A_24 : i32 to vector<16xi32>
          %select_n3A_168 = arith.select %eq3A, %broadcast_in_dim3A_166, %broadcast_in_dim3A_167 : vector<16xi1>, vector<16xi32>
          %min3A = arith.minsi %scan3A_161, %select_n3A_168 : vector<16xi32>
          scf.yield %min3A : vector<16xi32>
        }
        %scan3A_150 = arith.constant 256 : i32
        %select_n3A = arith.select %gt3A_124, %max3A_121, %get3A_123 : vector<16xi1>, vector<16xf32>
        %swap3A_151 = arith.constant 0 : index
        %swap3A_152 = tpu.vector_load %arg8[%swap3A_151] {strides = array<i32>} : memref<16xf32, #tpu.memory_space<vmem>>, vector<16xf32>,
        tpu.vector_store %arg8[%swap3A_151], %select_n3A {strides = array<i32>} : memref<16xf32, #tpu.memory_space<vmem>>, vector<16xf32>,
        %add3A_153 = vector.broadcast %mul3A_106 : i32 to vector<16xi32>
        %add3A_154 = arith.addi %scan3A_149, %add3A_153 : vector<16xi32>
        %get3A_155 = arith.constant 0 : index
        %get3A_156 = tpu.vector_load %arg9[%get3A_155] {strides = array<i32>} : memref<16xi32, #tpu.memory_space<vmem>>, vector<16xi32>,
        %select_n3A_157 = arith.select %gt3A_124, %add3A_154, %get3A_156 : vector<16xi1>, vector<16xi32>
        %swap3A_158 = arith.constant 0 : index
        %swap3A_159 = tpu.vector_load %arg9[%swap3A_158] {strides = array<i32>} : memref<16xi32, #tpu.memory_space<vmem>>, vector<16xi32>,
        tpu.vector_store %arg9[%swap3A_158], %select_n3A_157 {strides = array<i32>} : memref<16xi32, #tpu.memory_space<vmem>>, vector<16xi32>,
      } else {
      }
      %lt3A_139 = arith.constant 63 : i32
      %lt3A_140 = arith.cmpi slt, %add3A_51, %lt3A_139 : i32
      %convert_element_type3A_141 = arith.extui %lt3A_140 : i1 to i32
      %cond3A_142 = arith.constant 0 : i32
      %cond3A_143 = arith.cmpi ne, %convert_element_type3A_141, %cond3A_142 : i32
      scf.if %cond3A_143 {
        %add3A_144 = arith.constant 3 : i32
        %add3A_145 = arith.addi %mul3A_53, %add3A_144 : i32
        %mul3A_146 = arith.constant 4096 : i32
        %mul3A_147 = arith.muli %add3A_145, %mul3A_146 : i32
        %add3A_148 = arith.addi %mul3A_2, %mul3A_147 : i32
        %dma_start3A_149 = tpu.memref_slice %arg2[%add3A_148] : memref<16777216xf32, #tpu.memory_space<hbm>> -> memref<4096xf32, #tpu.memory_space<hbm>>
        %dma_start3A_150 = tpu.memref_slice %arg2[%add3A_148] : memref<16777216xf32, #tpu.memory_space<hbm>> -> memref<4096xf32, #tpu.memory_space<hbm>>
        tpu.enqueue_dma source(%dma_start3A_150 : memref<4096xf32, #tpu.memory_space<hbm>>) target(%arg5 : memref<4096xf32, #tpu.memory_space<vmem>>) target_semaphore(%arg10 : memref<!tpu.dma_semaphore, #tpu.memory_space<semaphore_mem>>)
      } else {
      }
    }
    %scan3A_29 = arith.constant 64 : i32
    %get3A = arith.constant 0 : index
    %get3A_30 = tpu.vector_load %arg9[%get3A] {strides = array<i32>} : memref<16xi32, #tpu.memory_space<vmem>>, vector<16xi32>,
    %mul3A_31 = arith.constant 32768 : i32
    %mul3A_32 = arith.muli %add3A, %mul3A_31 : i32
    %add3A_33 = vector.broadcast %mul3A_32 : i32 to vector<16xi32>
    %add3A_34 = arith.addi %get3A_30, %add3A_33 : vector<16xi32>
    %mul3A_35 = arith.constant 16 : i32
    %mul3A_36 = vector.broadcast %mul3A_35 : i32 to vector<16xi32>
    %mul3A_37 = arith.muli %add3A_34, %mul3A_36 : vector<16xi32>
    %iota3A = tpu.iota {dimensions = array<i32: 0>} : vector<16xi32>
    %add3A_38 = arith.addi %mul3A_37, %iota3A : vector<16xi32>
    %scan3A_39 = arith.constant 0 : i32
    %scan3A_40 = arith.constant 128 : i32
    %scan3A_41 = arith.addi %scan3A_39, %scan3A_40 : i32
    %scan3A_42 = arith.constant 1 : i32
    scf.for %scan3A_47 = %scan3A_39 to %scan3A_41 step %scan3A_42  : i32 {
      %mul3A_48 = arith.constant 1 : i32
      %mul3A_49 = arith.muli %scan3A_47, %mul3A_48 : i32
      %add3A_50 = arith.constant 0 : i32
      %add3A_51 = arith.addi %add3A_50, %mul3A_49 : i32
      %dma_wait3A_52 = tpu.memref_slice %arg3[%mul3A_2] : memref<16777216xf32, #tpu.memory_space<hbm>> -> memref<4096xf32, #tpu.memory_space<hbm>>
      %dma_wait3A_53 = tpu.memref_slice %arg3[%mul3A_2] : memref<16777216xf32, #tpu.memory_space<hbm>> -> memref<4096xf32, #tpu.memory_space<hbm>>
      tpu.wait_dma2 semaphore(%arg11 : memref<!tpu.dma_semaphore, #tpu.memory_space<semaphore_mem>>) src(%arg6 : memref<4096xf32, #tpu.memory_space<vmem>>) dst(%dma_wait3A_53 : memref<4096xf32, #tpu.memory_space<hbm>>)
    }
    %scan3A_43 = arith.constant 128 : i32
    %dma_start3A_44 = arith.constant 0 : i32
    %dma_start3A_45 = tpu.memref_slice %arg3[%dma_start3A_44] : memref<16777216xf32, #tpu.memory_space<hbm>> -> memref<16777216xf32, #tpu.memory_space<hbm>>
    tpu.enqueue_indirect_dma source(%arg7 : memref<16xf32, #tpu.memory_space<vmem>>) target(%dma_start3A_45 : memref<16777216xf32, #tpu.memory_space<hbm>>) offsets(%add3A_38 : vector<16xi32>) semaphore(%arg12 : memref<!tpu.dma_semaphore, #tpu.memory_space<semaphore_mem>>)
    %dma_wait3A = arith.constant 0 : i32
    %dma_wait3A_46 = tpu.memref_slice %arg3[%dma_wait3A] : memref<16777216xf32, #tpu.memory_space<hbm>> -> memref<16777216xf32, #tpu.memory_space<hbm>>
    tpu.wait_indirect_dma semaphore(%arg12 : memref<!tpu.dma_semaphore, #tpu.memory_space<semaphore_mem>>) src(%arg7 : memref<16xf32, #tpu.memory_space<vmem>>) dst(%dma_wait3A_46 : memref<16777216xf32, #tpu.memory_space<hbm>>)
    return
  }
}

</mosaic_0001>

<sc_bundles>
// kernel: kernel.3.cloned.1.call-start
scs
__scs_entry_jumppad:
0x0: {  	(pc) =	sbr.rel $0x88, $3  }
0x1: {  	(tag) =	ssettag $0x0;
	lr =	simm.s32 $0x1  }
0x2: {  	[smem:$0x3FA0] =	sst lr;
	_ =	strace $0xD0000000  }
0x3: {  	_ = 	snop  }
0x4: {  	_ = 	snop  }
0x5: {  	_ = 	snop  }
0x6: {  	_ = 	snop  }
0x7: {  	_ = 	snop  }
__scs_overlays_trampoline_lowered:
0x8: {  	[smem:$0x3FAF] =	sst s0  }
0x9: {  	[smem:$0x3FB0] =	sst s1  }
0xa: {  	[smem:$0x3FB1] =	sst s2  }
0xb: {  	[smem:$0x3FB2] =	sst s3  }
0xc: {  	[smem:$0x3FB3] =	sst s4  }
0xd: {  	[smem:$0x3FB4] =	sst s5  }
0xe: {  	[smem:$0x3FB5] =	sst s6  }
0xf: {  	[smem:$0x3FB6] =	sst s7  }
0x10: {  	[smem:$0x3FB7] =	sst s8  }
0x11: {  	[smem:$0x3FB8] =	sst s9;
	s0 =	simm.s32 @!p0 $0x0  }
0x12: {  	s1 =	sld [smem:$0x3F9E];
	s0 =	simm.s32 @p0 $0x1  }
0x13: {  	[smem:$0x3FB9] =	sst s0;
	s0 =	simm.s32 @!p1 $0x0  }
0x14: {  	s2 =	sld [smem:$0x3F9D];
	s0 =	simm.s32 @p1 $0x1  }
0x15: {  	[smem:$0x3FBA] =	sst s0;
	s0 =	simm.s32 @!p2 $0x0  }
0x16: {  	s3 =	sld [smem:$0x3FDB];
	s0 =	simm.s32 @p2 $0x1  }
0x17: {  	s4 =	simm.s32 $0x1BF5;
	[smem:$0x3FBC] =	sst s0  }
0x18: {  	s0 =	sld [smem:$0x3F9F];
	_ =	swait.ge [sflag:s4], $0x0  }
0x19: {  	s7 =	sld [smem:$0x3FA0]  }
0x1a: {  	s8 =	sadd.s32 $0xFFFFE003, lr  }
0x1b: {  	s9 =	sadd.s32 $0xFFFFFEF7, lr;
	s5 =	simm.s32 $0xFFFFFFFF;
	p2 =	slt.u32 s8, $0xFFFFF086  }
0x1c: {  	p1 =	slt.u32 s9, $0xF7A;
	s5 =	simm.s32 @!p2 $0x0  }
0x1d: {  	s5 =	simm.s32 @p1 $0x1;
	p0 =	seq.s32 s7, s2  }
0x1e: {  	s7 =	smul.u32 @!p0 $0xF7A, s2;
	p2 =	seq.s32 @!p0 s5, $0x0  }
0x1f: {  	s9 =	smul.u32 $0xF7A, s1;
	s8 =	simm.s32 @!p0 $0x1BF5;
	p2 =	por !p2, p0  }
0x20: {  	[sflag:s8] =	ssyncset.s32 @!p0 $0xFFFFF086;
	s6 =	sadd.s32 @!p0 s3, s7;
	s7 =	simm.s32 @!p0 $0x108  }
0x21: {  	s3 =	sadd.s32 s3, s9;
	s6 =	sadd.s32 @!p0 $0x88, s6;
	s7 =	simm.s32 @p2 $0x1082  }
0x22: {  	[simem:s7], [sflag:s8] =	dma.local @!p0 [hbm:s6], $0xF7A  }
0x23: {  	s9 =	sor.u32 $0xD0000000, s2;
	s6 =	simm.s32 $0x108;
	_ =	swait.ge @!p0 [sflag:s8], $0x0  }
0x24: {  	s3 =	sadd.s32 $0x88, s3;
	s6 =	simm.s32 @!p1 $0x1082;
	[sflag:s4] =	ssyncset.s32 $0xFFFFF086  }
0x25: {  	[simem:s6], [sflag:s4] =	dma.local [hbm:s3], $0xF7A  }
0x26: {  	[smem:$0x3FA0] =	sst s1;
	(tag) =	ssettag s2;
	_ =	strace s9  }
0x27: {  	s1 =	sld [smem:$0x3FB0]  }
0x28: {  	s2 =	sld [smem:$0x3FB1]  }
0x29: {  	s4 =	sld [smem:$0x3FB3]  }
0x2a: {  	p0 =	seq.s32 s5, $0x0;
	s5 =	sld [smem:$0x3FB4]  }
0x2b: {  	s6 =	sld [smem:$0x3FB5]  }
0x2c: {  	s7 =	sld [smem:$0x3FB6]  }
0x2d: {  	s3 =	simm.s32 $0x108;
	s8 =	sld [smem:$0x3FB7]  }
0x2e: {  	s3 =	simm.s32 @!p0 $0x1082;
	s9 =	sld [smem:$0x3FB8]  }
0x2f: {  	lr =	sadd.s32 s0, s3;
	s0 =	sld [smem:$0x3FAF]  }
0x30: {  	s3 =	sld [smem:$0x3FB2]  }
0x31: {  	[smem:$0x3FBB] =	sst s10  }
0x32: {  	s10 =	sld [smem:$0x3FB9];
	_ =	sdelay $0x3  }
0x33: {  	p0 =	seq.s32 s10, $0x1;
	s10 =	sld [smem:$0x3FBB];
	_ =	sdelay $0x3  }
0x34: {  	[smem:$0x3FBB] =	sst s10  }
0x35: {  	s10 =	sld [smem:$0x3FBA];
	_ =	sdelay $0x3  }
0x36: {  	p1 =	seq.s32 s10, $0x1;
	s10 =	sld [smem:$0x3FBB];
	_ =	sdelay $0x3  }
0x37: {  	[smem:$0x3FBB] =	sst s10  }
0x38: {  	s10 =	sld [smem:$0x3FBC]  }
0x39: {  	_ = 	snop;
	(pc) =	sbr.ind lr, $3  }
0x3a: {  	_ = 	snop  }
0x3b: {  	_ = 	snop  }
0x3c: {  	p2 =	seq.s32 s10, $0x1;
	s10 =	sld [smem:$0x3FBB]  }
0x3d: {  	_ =	shalt  }
0x3e: {  	_ =	shalt  }
0x3f: {  	_ =	shalt  }
0x40: {  	_ =	shalt  }
0x41: {  	_ =	shalt  }
0x42: {  	_ =	shalt  }
0x43: {  	_ =	shalt  }
0x44: {  	_ =	shalt  }
0x45: {  	_ =	shalt  }
0x46: {  	_ =	shalt  }
0x47: {  	_ =	shalt  }
0x48: {  	_ =	shalt  }
0x49: {  	_ =	shalt  }
0x4a: {  	_ =	shalt  }
0x4b: {  	_ =	shalt  }
0x4c: {  	_ =	shalt  }
0x4d: {  	_ =	shalt  }
0x4e: {  	_ =	shalt  }
0x4f: {  	_ =	shalt  }
0x50: {  	_ =	shalt  }
0x51: {  	_ =	shalt  }
0x52: {  	_ =	shalt  }
0x53: {  	_ =	shalt  }
0x54: {  	_ =	shalt  }
0x55: {  	_ =	shalt  }
0x56: {  	_ =	shalt  }
0x57: {  	_ =	shalt  }
0x58: {  	_ =	shalt  }
0x59: {  	_ =	shalt  }
0x5a: {  	_ =	shalt  }
0x5b: {  	_ =	shalt  }
0x5c: {  	_ =	shalt  }
0x5d: {  	_ =	shalt  }
0x5e: {  	_ =	shalt  }
0x5f: {  	_ =	shalt  }
0x60: {  	_ =	shalt  }
0x61: {  	_ =	shalt  }
0x62: {  	_ =	shalt  }
0x63: {  	_ =	shalt  }
0x64: {  	_ =	shalt  }
0x65: {  	_ =	shalt  }
0x66: {  	_ =	shalt  }
0x67: {  	_ =	shalt  }
0x68: {  	_ =	shalt  }
0x69: {  	_ =	shalt  }
0x6a: {  	_ =	shalt  }
0x6b: {  	_ =	shalt  }
0x6c: {  	_ =	shalt  }
0x6d: {  	_ =	shalt  }
0x6e: {  	_ =	shalt  }
0x6f: {  	_ =	shalt  }
0x70: {  	_ =	shalt  }
0x71: {  	_ =	shalt  }
0x72: {  	_ =	shalt  }
0x73: {  	_ =	shalt  }
0x74: {  	_ =	shalt  }
0x75: {  	_ =	shalt  }
0x76: {  	_ =	shalt  }
0x77: {  	_ =	shalt  }
0x78: {  	_ =	shalt  }
0x79: {  	_ =	shalt  }
0x7a: {  	_ =	shalt  }
0x7b: {  	_ =	shalt  }
0x7c: {  	_ =	shalt  }
0x7d: {  	_ =	shalt  }
0x7e: {  	_ =	shalt  }
0x7f: {  	_ =	shalt  }
0x80: {  	_ =	shalt  }
0x81: {  	_ =	shalt  }
0x82: {  	_ =	shalt  }
0x83: {  	_ =	shalt  }
0x84: {  	_ =	shalt  }
0x85: {  	_ =	shalt  }
0x86: {  	_ =	shalt  }
0x87: {  	_ =	shalt  }
.Lfunc_end0:
.L_simem_size_0:
called_computation.1_lowered:
.L_overlay_start_0:
0x88: {  	s2 =	sld [smem:$0x3FD9]  }
0x89: {  	s3 =	sld [smem:$0x3FFE];
	_ =	sdelay $0x1  }
0x8a: {  	s1 =	srdreg.scid  }
0x8b: {  	s0 =	sand.u32 $0x1, s1  }
0x8c: {  	s17 =	sshll.u32 s0, $0xA;
	s2 =	sadd.s32 s3, s2  }
0x8d: {  	s2 =	sadd.s32 s2, s17  }
0x8e: {  	[smem:$0x3FC7] =	sst s2  }
0x8f: {  	_ = 	snop  }
0x90: {  	s2 =	sld [smem:$0x3FD0];
	(tm) =	ssettm $0x1  }
0x91: {  	s18 =	sld [smem:$0x3FFB];
	_ =	sdelay $0x3  }
0x92: {  	_ =	strace s18  }
0x93: {  	s3 =	sld [smem:$0x3FFC];
	_ =	sdelay $0x3  }
0x94: {  	_ =	strace s3  }
0x95: {  	s3 =	sld [smem:$0x3FFD];
	_ =	sdelay $0x3  }
0x96: {  	_ =	strace s3  }
0x97: {  	_ =	strace $0x8FFFFFFF  }
0x98: {  	s19 =	sld [smem:$0x3FDB];
	_ =	sdelay $0x1  }
0x99: {  	s4 =	simm.s32 $_scs_section_size  }
0x9a: {  	s5 =	simm.s32 $_size__tile_overlayer_lowered;
	s6 =	simm.s32 $_tile_overlayer_lowered  }
0x9b: {  	s22 =	simm.s32 $0x1BFF;
	s21 =	sshll.u32 s6, $0x1;
	s3 =	sadd.s32 s4, s19  }
0x9c: {  	s7 =	simm.s32 $0x0;
	s20 =	sshll.u32 s5, $0x1;
	s5 =	sadd.s32 s21, s3  }
0x9d: {  	[timem:s7], [sflag:s22] =	dma.local [hbm:s5], s20  }
0x9e: {  	_ =	swait.ge [sflag:s22], s20  }
0x9f: {  	s4 =	ssub.s32 $0x0, s20;
	[sflag:s22] =	ssyncset.done $0x0  }
0xa0: {  	[sflag:s22] =	ssyncadd.s32 s4;
	_ =	sdelay $0x1  }
0xa1: {  	s23 =	simm.s32 $0x1B8B  }
0xa2: {  	_ =	swait.ge [sflag:s23], $0x1  }
0xa3: {  	[sflag:s23] =	ssyncset.done $0x0  }
0xa4: {  	s25 =	simm.s32 $0x1B8E;
	s24 =	sld [smem:$0x3FFE];
	[sflag:s23] =	ssyncadd.s32 $0xFFFFFFFF  }
0xa5: {  	s26 =	simm.s32 $execute0_lowered;
	[smem:$0x3FD2] =	sst s25  }
0xa6: {  	s5 =	sshll.u32 s26, $0x1;
	_ =	strace $0x80000046;
	[dreg:$0x1] =	wrdreg $0xFFFFFFFF  }
0xa7: {  	s28 =	simm.s32 $_size_execute0_lowered;
	s3 =	sadd.s32 s3, s5;
	[dreg:$0x0] =	wrdreg $0x0  }
0xa8: {  	s5 =	sshll.u32 s28, $0x1;
	[dreg:$0x2] =	wrdreg s3  }
0xa9: {  	[dreg:$0x3] =	wrdreg s5  }
0xaa: {  	[dreg:$0x4] =	wrdreg $0xC0  }
0xab: {  	_ =	task [dreg:s7], $0x5FFFF  }
0xac: {  	[dreg:$0x1] =	wrdreg $0xFFFFFFFF  }
0xad: {  	[dreg:$0x0] =	wrdreg $0x60  }
0xae: {  	[dreg:$0x2] =	wrdreg s2  }
0xaf: {  	[dreg:$0x3] =	wrdreg s24  }
0xb0: {  	[dreg:$0x4] =	wrdreg $0x9  }
0xb1: {  	_ =	task.clear_ibuf [dreg:s7], $0x5FFFF;
	_ =	strace $0x90000046  }
0xb2: {  	s29 =	simm.s32 $0x9;
	_ =	strace $0x80000048  }
0xb3: {  	_ =	swait.ge [sflag:s29], $0x1  }
0xb4: {  	[sflag:s29] =	ssyncadd.s32 $0xFFFFFFFF  }
0xb5: {  	_ =	strace $0x90000048  }
0xb6: {  	_ =	sfence  }
0xb7: {  	s30 =	sld [smem:$0x0];
	_ =	sdelay $0x2  }
0xb8: {  	s31 =	sshll.u32 s1, $0xD;
	s1 =	sshrl.u32 s1, $0x2  }
0xb9: {  	s3 =	sand.u32 $0x4000, s31;
	s1 =	sadd.s32 s1, s30  }
0xba: {  	s0 =	sor.u32 s3, s0;
	s1 =	sshll.u32 s1, $0x11  }
0xbb: {  	s0 =	sor.u32 s1, s0  }
0xbc: {  	s0 =	sadd.s32 $0x8F2B, s0  }
0xbd: {  	[sflag:s0] =	ssyncadd.remote.s32 $0x1  }
0xbe: {  	_ =	sfence.sel $0xFFFF  }
0xbf: {  	[dreg:$0x0] =	wrdreg $0xFFFFFFFF;
	(pc) =	sbr.abs _section_cstart, $3  }
0xc0: {  	[dreg:$0x1] =	wrdreg $0xFFFFFFFF  }
0xc1: {  	_ =	task.clear_ibuf [dreg:s7], $0x2FFFF;
	_ =	strace $0x9FFFFFFF  }
0xc2: {  	(tm) =	ssettm $0x7FFFFFFF  }
0xc3: {  	_ =	shalt  }
tec
execute0_lowered:
.L_overlay_start_1:
0x0: {  	(tag) =	ssettag $0x1  }
0x1: {  	s1 =	rddreg [dreg:$0x0]  }
0x2: {  	s4 =	rddreg [dreg:$0x1]  }
0x3: {  	s0 =	rddreg [dreg:$0x2]  }
0x4: {  	s3 =	simm.s32 $0x0;
	s5 =	srdreg.scid;
	s2 =	stileid.u32  }
0x5: {  	s12 =	simm.s32 $0x2000;
	s13 =	simm.s32 $0x1;
	s14 =	simm.s32 $0x2  }
0x6: {  	s15 =	simm.s32 $0x3000;
	s16 =	simm.s32 $0x3;
	s17 =	simm.s32 $0x0  }
0x7: {  	[smem:$0x7FF] =	sst s3;
	s5 =	sand.u32 $0x1, s5;
	s6 =	sshll.u32 s2, $0x1  }
0x8: {  	s4 =	sadd.s32 $0x800, s4;
	s7 =	ssub.s32 $0x2, s5;
	s9 =	sor.u32 s5, s6  }
0x9: {  	_ =	strace $0x80000047;
	s31 =	sshrl.u32 s7, $0x1;
	s6 =	sshll.u32 s9, $0x10  }
0xa: {  	v1 =	vimm.f32 $0.0e+00;
	s5 =	sshll.u32 s9, $0x13;
	s11 =	sshll.u32 s9, $0xF;
	s10 =	ssub.s32 s7, s31  }
0xb: {  	v2 =	vimm.f32 $1.000000000e+00;
	v3 =	vimm.f32 $-Inf;
	v4 =	vimm.s32 $0x0;
	s6 =	sadd.s32 s1, s6;
	s8 =	sor.u32 $0x2000, s5;
	s9 =	sor.u32 $0x3000, s5  }
0xc: {  	v5 =	vlaneseq.u32;
	vm0 =	vmmov $0xffff;
	v0 =	vmov s11;
	s11 =	simm.s32 $0x1000;
	s7 =	sadd.s32 $0x200, s6;
	s10 =	smax.u32 s10, $0x1  }
.LBB2_1:
0xd: {  	s18 =	simm.s32 $0x40;
	s19 =	simm.s32 $0x0  }
.LBB2_2:
0xe: {  	p0 =	sne.s32 s18, $0x3FC0;
	[tilespmem:s19+$0x2000] =	vst v1;
	s19 =	smov.u32 s18;
	s18 =	sadd.s32 $0x40, s18  }
.Ltmp0:
0xf: {  	(pc) =	sbr.rel @p0 .LBB2_2-.Ltmp0, $2  }
0x10: {  	_ =	sdelay $0x2  }
0x11: {  	s19 =	sshra.s32 s19, $0x2  }
0x12: {  	[tilespmem:s19+$0x2000] =	vst v1  }
0x13: {  	[tilespmem:$0x3000] =	vst v2  }
0x14: {  	[tilespmem:$0x3010] =	vst v3  }
0x15: {  	s18 =	simm.s32 $0x0;
	[tilespmem:$0x3020] =	vst v4  }
0x16: {  	[tilespmem:s18], [sflag:$0x1] =	stream.linear.gather [hbm4b:s6+s18], $0x1000, $0x38;
	[tilespmem:$0x3030] =	vst v63  }
0x17: {  	s19 =	simm.s32 $0x0  }
0x18: {  	[tilespmem:s11], [sflag:$0x1] =	stream.linear.gather [hbm4b:s7+s18], $0x1000, $0x38;
	[tilespmem:$0x3030] =	vst v63  }
.LBB2_4:
0x19: {  	s20 =	sshll.u32 s19, $0xD  }
0x1a: {  	s21 =	sor.u32 s5, s20  }
0x1b: {  	s21 =	sshrl.u32 s21, $0x3  }
0x1c: {  	s21 =	sadd.s32 s4, s21  }
0x1d: {  	[hbm4b:s21+s18] =	stream.linear.scatter [tilespmem:s12], [sflag:$0x2], $0x1000, $0x38;
	[tilespmem:$0x3030] =	vst v63  }
0x1e: {  	s21 =	sshllo.u32 s19, $0x1  }
0x1f: {  	s22 =	sshll.u32 s21, $0xC  }
0x20: {  	s22 =	sadd.s32 s5, s22  }
0x21: {  	s22 =	sshrl.u32 s22, $0x3  }
0x22: {  	s22 =	sadd.s32 s4, s22  }
0x23: {  	[hbm4b:s22+s18] =	stream.linear.scatter [tilespmem:s12], [sflag:$0x2], $0x1000, $0x38;
	[tilespmem:$0x3030] =	vst v63  }
0x24: {  	_ =	swait.ge [sflag:s13], $0x1000  }
0x25: {  	[sflag:s13] =	ssyncset.done $0x0  }
0x26: {  	s24 =	simm.s32 $0x0;
	[sflag:s13] =	ssyncadd.s32 $0xFFFFF000  }
0x27: {  	v6 =	vld [tilespmem:s24+$0x70]  }
0x28: {  	v7 =	vld [tilespmem:s24+$0x0]  }
0x29: {  	v9 =	vld [tilespmem:s24+$0x10]  }
0x2a: {  	v18 =	vld [tilespmem:s24+$0x20]  }
0x2b: {  	v17 =	vld [tilespmem:s24+$0x30]  }
0x2c: {  	v8 =	vimm.f32 $-Inf;
	v11 =	vimm.f32 $-Inf;
	v10 =	vld [tilespmem:s24+$0x40]  }
0x2d: {  	v12 =	vimm.f32 $-Inf;
	v13 =	vld [tilespmem:s24+$0x50];
	v6 =	vmax.f32 v8, v6;
	v14 =	vmax.f32 v8, v7  }
0x2e: {  	s23 =	simm.s32 $0x400;
	s22 =	simm.s32 $0x80;
	v15 =	vld [tilespmem:s24+$0x60];
	v16 =	vmax.f32 v8, v9;
	v9 =	vimm.f32 $-Inf;
	v7 =	vimm.f32 $-Inf  }
.LBB2_5:
0x2f: {  	p0 =	sne.s32 s23, $0x3E00;
	v19 =	vld [tilespmem:s22+$0x70];
	v8 =	vmax.f32 v8, v18  }
0x30: {  	v20 =	vld [tilespmem:s22+$0x0];
	v11 =	vmax.f32 v11, v17  }
0x31: {  	v21 =	vld [tilespmem:s22+$0x10];
	v12 =	vmax.f32 v12, v10  }
.Ltmp1:
0x32: {  	v18 =	vld [tilespmem:s22+$0x20];
	v9 =	vmax.f32 v9, v13;
	(pc) =	sbr.rel @p0 .LBB2_5-.Ltmp1, $4  }
0x33: {  	v17 =	vld [tilespmem:s22+$0x30];
	v7 =	vmax.f32 v7, v15  }
0x34: {  	v10 =	vld [tilespmem:s22+$0x40];
	v6 =	vmax.f32 v6, v19  }
0x35: {  	v14 =	vmax.f32 v14, v20;
	v13 =	vld [tilespmem:s22+$0x50]  }
0x36: {  	v16 =	vmax.f32 v16, v21;
	v15 =	vld [tilespmem:s22+$0x60];
	s22 =	sshra.s32 s23, $0x2;
	s23 =	sadd.s32 $0x200, s23  }
0x37: {  	v19 =	vld [tilespmem:s22+$0x0]  }
0x38: {  	v20 =	vld [tilespmem:s22+$0x10]  }
0x39: {  	v21 =	vld [tilespmem:s22+$0x20]  }
0x3a: {  	v22 =	vld [tilespmem:s22+$0x30]  }
0x3b: {  	v23 =	vld [tilespmem:s22+$0x40]  }
0x3c: {  	v24 =	vld [tilespmem:s22+$0x50]  }
0x3d: {  	v8 =	vmax.f32 v8, v18;
	v62 =	vld [tilespmem:s22+$0x60];
	v14 =	vmax.f32 v14, v19;
	v16 =	vmax.f32 v16, v20  }
0x3e: {  	v63 =	vld [tilespmem:s22+$0x70];
	v11 =	vmax.f32 v11, v17;
	v8 =	vmax.f32 v8, v21;
	v14 =	vmax.f32 v14, v16  }
0x3f: {  	v10 =	vmax.f32 v12, v10;
	v11 =	vmax.f32 v11, v22;
	v8 =	vmax.f32 v14, v8  }
0x40: {  	v9 =	vmax.f32 v9, v13;
	v10 =	vmax.f32 v10, v23;
	v11 =	vmax.f32 v8, v11;
	v8 =	vld [tilespmem:$0x3010]  }
0x41: {  	v7 =	vmax.f32 v7, v15;
	v9 =	vmax.f32 v9, v24;
	v10 =	vmax.f32 v11, v10  }
0x42: {  	v7 =	vmax.f32 v7, v62;
	v9 =	vmax.f32 v10, v9  }
0x43: {  	v6 =	vmax.f32 v6, v63;
	v7 =	vmax.f32 v9, v7  }
0x44: {  	v6 =	vmax.f32 v7, v6  }
0x45: {  	vm1 =	vgt.f32 v6, v8  }
0x46: {  	v7 =	vsel vm1, $0x3F800000, v1  }
0x47: {  	(xrf0) =	vmax.scan.msk.f32 $0xffff, v7;
	_ =	sdelay $0x5  }
0x48: {  	v7, _, _ =	vpop (xrf0)  }
0x49: {  	(v2sf) =	vpush v7, $0xF;
	_ =	sdelay $0xe  }
0x4a: {  	s31 =	spop (v2sf)  }
0x4b: {  	p0 =	sgt.f32 s31, $0.0e+00  }
.Ltmp2:
0x4c: {  	_ = 	snop;
	(pc) =	sbr.rel @!p0 .LBB2_10-.Ltmp2, $1  }
0x4d: {  	_ =	sdelay $0x3  }
0x4e: {  	s24 =	simm.s32 $0x0  }
0x4f: {  	v9 =	vld [tilespmem:s24+$0x0];
	_ =	sdelay $0x4  }
0x50: {  	s22 =	sshll.u32 s19, $0x9;
	v7 =	vimm.s32 $0x40000000;
	s23 =	simm.s32 $0x1;
	vm2 =	veq.f32 v9, v6;
	v9 =	vmov s24;
	s24 =	simm.s32 $0x10  }
.LBB2_8:
0x51: {  	v10 =	vld [tilespmem:s24+$0x0];
	p0 =	sne.s32 s23, $0xFF;
	v9 =	vnsel vm2, $0x40000000, v9;
	s25 =	smov.u32 s23;
	s23 =	sadd.s32 $0x1, s23  }
.Ltmp3:
0x52: {  	vm2 =	vlt.s32 v7, v9;
	(pc) =	sbr.rel @p0 .LBB2_8-.Ltmp3, $2  }
0x53: {  	v7 =	vsel vm2, v7, v9;
	_ =	sdelay $0x2  }
0x54: {  	s24 =	sadd.s32 $0x10, s24;
	v9 =	vmov s25;
	vm2 =	veq.f32 v10, v6  }
0x55: {  	v10 =	vld [tilespmem:$0x3020]  }
0x56: {  	v9 =	vnsel vm2, $0x40000000, v9  }
0x57: {  	vm2 =	vlt.s32 v7, v9  }
0x58: {  	v7 =	vsel vm2, v7, v9  }
0x59: {  	v6 =	vsel vm1, v6, v8;
	v7 =	vadd.s32 s22, v7  }
0x5a: {  	[tilespmem:$0x3010] =	vst v6;
	v6 =	vsel vm1, v7, v10  }
0x5b: {  	[tilespmem:$0x3020] =	vst v6  }
.LBB2_10:
0x5c: {  	p0 =	seq.s32 s19, $0x3F  }
0x5d: {  	s22 =	sadd.s32 @!p0 s20, s8  }
0x5e: {  	s22 =	sshrl.u32 @!p0 s22, $0x3  }
0x5f: {  	s23 =	simm.s32 @!p0 $0x0;
	s22 =	sadd.s32 @!p0 s1, s22  }
0x60: {  	[tilespmem:s23], [sflag:$0x1] =	stream.linear.gather @!p0 [hbm4b:s22+s23], $0x1000, $0x38;
	[tilespmem:$0x3030] =	vst v63  }
0x61: {  	_ =	swait.ge [sflag:s13], $0x1000  }
0x62: {  	[sflag:s13] =	ssyncset.done $0x0  }
0x63: {  	s24 =	simm.s32 $0x0;
	[sflag:s13] =	ssyncadd.s32 $0xFFFFF000  }
0x64: {  	v6 =	vld [tilespmem:s24+$0x1070]  }
0x65: {  	v7 =	vld [tilespmem:s24+$0x1000]  }
0x66: {  	v9 =	vld [tilespmem:s24+$0x1010]  }
0x67: {  	v18 =	vld [tilespmem:s24+$0x1020]  }
0x68: {  	v17 =	vld [tilespmem:s24+$0x1030]  }
0x69: {  	v8 =	vimm.f32 $-Inf;
	v11 =	vimm.f32 $-Inf;
	v10 =	vld [tilespmem:s24+$0x1040]  }
0x6a: {  	v12 =	vimm.f32 $-Inf;
	v13 =	vld [tilespmem:s24+$0x1050];
	v6 =	vmax.f32 v8, v6;
	v14 =	vmax.f32 v8, v7  }
0x6b: {  	s22 =	simm.s32 $0x80;
	s23 =	simm.s32 $0x400;
	v15 =	vld [tilespmem:s24+$0x1060];
	v16 =	vmax.f32 v8, v9;
	v9 =	vimm.f32 $-Inf;
	v7 =	vimm.f32 $-Inf  }
.LBB2_11:
0x6c: {  	p1 =	sne.s32 s23, $0x3E00;
	v19 =	vld [tilespmem:s22+$0x1070];
	v8 =	vmax.f32 v8, v18  }
0x6d: {  	v20 =	vld [tilespmem:s22+$0x1000];
	v11 =	vmax.f32 v11, v17  }
0x6e: {  	v21 =	vld [tilespmem:s22+$0x1010];
	v12 =	vmax.f32 v12, v10  }
.Ltmp4:
0x6f: {  	v18 =	vld [tilespmem:s22+$0x1020];
	v9 =	vmax.f32 v9, v13;
	(pc) =	sbr.rel @p1 .LBB2_11-.Ltmp4, $4  }
0x70: {  	v17 =	vld [tilespmem:s22+$0x1030];
	v7 =	vmax.f32 v7, v15  }
0x71: {  	v10 =	vld [tilespmem:s22+$0x1040];
	v6 =	vmax.f32 v6, v19  }
0x72: {  	v14 =	vmax.f32 v14, v20;
	v13 =	vld [tilespmem:s22+$0x1050]  }
0x73: {  	v16 =	vmax.f32 v16, v21;
	v15 =	vld [tilespmem:s22+$0x1060];
	s22 =	sshra.s32 s23, $0x2;
	s23 =	sadd.s32 $0x200, s23  }
0x74: {  	v19 =	vld [tilespmem:s22+$0x1000]  }
0x75: {  	v20 =	vld [tilespmem:s22+$0x1010]  }
0x76: {  	v21 =	vld [tilespmem:s22+$0x1020]  }
0x77: {  	v22 =	vld [tilespmem:s22+$0x1030]  }
0x78: {  	v23 =	vld [tilespmem:s22+$0x1040]  }
0x79: {  	v24 =	vld [tilespmem:s22+$0x1050]  }
0x7a: {  	v8 =	vmax.f32 v8, v18;
	v62 =	vld [tilespmem:s22+$0x1060];
	v14 =	vmax.f32 v14, v19;
	v16 =	vmax.f32 v16, v20  }
0x7b: {  	v63 =	vld [tilespmem:s22+$0x1070];
	v11 =	vmax.f32 v11, v17;
	v8 =	vmax.f32 v8, v21;
	v14 =	vmax.f32 v14, v16  }
0x7c: {  	v10 =	vmax.f32 v12, v10;
	v11 =	vmax.f32 v11, v22;
	v8 =	vmax.f32 v14, v8  }
0x7d: {  	v9 =	vmax.f32 v9, v13;
	v10 =	vmax.f32 v10, v23;
	v11 =	vmax.f32 v8, v11;
	v8 =	vld [tilespmem:$0x3010]  }
0x7e: {  	v7 =	vmax.f32 v7, v15;
	v9 =	vmax.f32 v9, v24;
	v10 =	vmax.f32 v11, v10  }
0x7f: {  	v7 =	vmax.f32 v7, v62;
	v9 =	vmax.f32 v10, v9  }
0x80: {  	v6 =	vmax.f32 v6, v63;
	v7 =	vmax.f32 v9, v7  }
0x81: {  	v6 =	vmax.f32 v7, v6  }
0x82: {  	vm1 =	vgt.f32 v6, v8  }
0x83: {  	v7 =	vsel vm1, $0x3F800000, v1  }
0x84: {  	(xrf0) =	vmax.scan.msk.f32 $0xffff, v7;
	_ =	sdelay $0x5  }
0x85: {  	v7, _, _ =	vpop (xrf0)  }
0x86: {  	(v2sf) =	vpush v7, $0xF;
	_ =	sdelay $0xe  }
0x87: {  	s31 =	spop (v2sf)  }
0x88: {  	p1 =	sgt.f32 s31, $0.0e+00  }
.Ltmp5:
0x89: {  	_ = 	snop;
	(pc) =	sbr.rel @!p1 .LBB2_16-.Ltmp5, $1  }
0x8a: {  	_ =	sdelay $0x3  }
0x8b: {  	s22 =	simm.s32 $0x1000  }
0x8c: {  	v9 =	vld [tilespmem:s22+$0x0];
	_ =	sdelay $0x3  }
0x8d: {  	s23 =	simm.s32 $0x0  }
0x8e: {  	s21 =	sshll.u32 s21, $0x8;
	v7 =	vimm.s32 $0x40000000;
	s22 =	simm.s32 $0x1;
	vm2 =	veq.f32 v9, v6;
	v9 =	vmov s23;
	s23 =	simm.s32 $0x1010  }
.LBB2_14:
0x8f: {  	v10 =	vld [tilespmem:s23+$0x0];
	p1 =	sne.s32 s22, $0xFF;
	v9 =	vnsel vm2, $0x40000000, v9;
	s24 =	smov.u32 s22;
	s22 =	sadd.s32 $0x1, s22  }
.Ltmp6:
0x90: {  	vm2 =	vlt.s32 v7, v9;
	(pc) =	sbr.rel @p1 .LBB2_14-.Ltmp6, $2  }
0x91: {  	v7 =	vsel vm2, v7, v9;
	_ =	sdelay $0x2  }
0x92: {  	s23 =	sadd.s32 $0x10, s23;
	v9 =	vmov s24;
	vm2 =	veq.f32 v10, v6  }
0x93: {  	v10 =	vld [tilespmem:$0x3020]  }
0x94: {  	v9 =	vnsel vm2, $0x40000000, v9  }
0x95: {  	vm2 =	vlt.s32 v7, v9  }
0x96: {  	v7 =	vsel vm2, v7, v9  }
0x97: {  	v6 =	vsel vm1, v6, v8;
	v7 =	vadd.s32 s21, v7  }
0x98: {  	[tilespmem:$0x3010] =	vst v6;
	v6 =	vsel vm1, v7, v10  }
0x99: {  	[tilespmem:$0x3020] =	vst v6  }
.LBB2_16:
.Ltmp7:
0x9a: {  	(pc) =	sbr.rel @p0 .LBB2_18-.Ltmp7, $1  }
0x9b: {  	_ =	sdelay $0x3  }
.Ltmp8:
0x9c: {  	(pc) =	sbr.rel .LBB2_4-.Ltmp8, $4  }
0x9d: {  	s20 =	sadd.s32 s20, s9  }
0x9e: {  	s20 =	sshrl.u32 s20, $0x3  }
0x9f: {  	s19 =	sadd.s32 $0x1, s19;
	s20 =	sadd.s32 s1, s20  }
0xa0: {  	[tilespmem:s11], [sflag:$0x1] =	stream.linear.gather [hbm4b:s20+s3], $0x1000, $0x38;
	[tilespmem:$0x3030] =	vst v63  }
.LBB2_18:
0xa1: {  	v6 =	vld [tilespmem:$0x3020];
	_ =	swait.ge [sflag:s14], $0x1000  }
0xa2: {  	s18 =	simm.s32 $0x7F;
	[sflag:s14] =	ssyncset.done $0x0  }
.LBB2_19:
0xa3: {  	p0 =	sne.s32 s18, $0x1;
	s18 =	sadd.s32 $0xFFFFFFFF, s18;
	[sflag:s14] =	ssyncadd.s32 $0xFFFFF000  }
.Ltmp9:
0xa4: {  	(pc) =	sbr.rel @p0 .LBB2_19-.Ltmp9, $3  }
0xa5: {  	_ =	sdelay $0x1  }
0xa6: {  	_ =	swait.ge [sflag:s14], $0x1000  }
0xa7: {  	[sflag:s14] =	ssyncset.done $0x0  }
0xa8: {  	v6 =	vadd.s32 v0, v6  }
0xa9: {  	v6 =	vshll.u32 v6, $0x4  }
0xaa: {  	v6 =	vor.u32 v5, v6;
	_ =	sdelay $0x1  }
0xab: {  	s17 =	sadd.s32 $0x1, s17  }
0xac: {  	p0 =	sne.s32 s17, s10  }
.Ltmp10:
0xad: {  	[sflag:s14] =	ssyncadd.s32 $0xFFFFF000;
	(pc) =	sbr.rel @p0 .LBB2_1-.Ltmp10, $4  }
0xae: {  	[hbm4b:s4+s3] =	stream.indirect_vreg.scatter [tilespmem:s15], [sflag:$0x3], $0x1, v6, vm0, $0xb8;
	[tilespmem:$0x3030] =	vst v63  }
0xaf: {  	_ =	swait.ge [sflag:s16], $0x10  }
0xb0: {  	[sflag:s16] =	ssyncset.done $0x0  }
0xb1: {  	[sflag:s16] =	ssyncadd.s32 $0xFFFFFFF0  }
0xb2: {  	_ =	sfence.sel $0x180000  }
0xb3: {  	[bflag:$0x0] =	sbarrier.arrive $0xFFFF  }
0xb4: {  	p0 =	sne.s32 s2, $0x0;
	_ =	strace $0x90000047  }
0xb5: {  	s0 =	sadd.s32 @!p0 $0x100000, s0;
	[bflag:$0x2] =	sbarrier.arrive $0xFFFF  }
0xb6: {  	[sflag:s0] =	ssyncadd.tile.s32 @!p0 $0x1;
	_ =	shalt  }
.Lfunc_end2:
_tile_overlayer_lowered:
.L_overlay_start_2:
0xb7: {  	(tag) =	ssettag $0x2  }
0xb8: {  	s0 =	rddreg [dreg:$0x0];
	s2 =	stileid.u32  }
0xb9: {  	s1 =	rddreg [dreg:$0x1];
	p0 =	sne.s32 s2, $0x0  }
0xba: {  	s3 =	rddreg [dreg:$0x2];
	[bflag:$0x3] =	sbarrier.arrive $0xFFFF;
	s2 =	simm.s32 @!p0 $0x1C04  }
0xbb: {  	[timem:s3], [sflag:s2] =	dma.local @!p0 [hbm:s0], s1  }
0xbc: {  	s0 =	simm.s32 @!p0 $0x4  }
0xbd: {  	_ =	swait.ge @!p0 [sflag:s0], s1  }
0xbe: {  	s1 =	ssub.s32 @!p0 $0x0, s1;
	[sflag:s0] =	ssyncset.done @!p0 $0x0  }
0xbf: {  	[sflag:s0] =	ssyncadd.s32 @!p0 s1  }
0xc0: {  	[bflag:$0x3] =	sbarrier.arrive $0xFFFF  }
0xc1: {  	_ =	shalt  }

// kernel: sparse-core-data-format-call.cloned.1.call-start
scs
called_computation_lowered:
.L_overlay_start_0:
0x0: {  	s2 =	sld [smem:$0x3FD9]  }
0x1: {  	s3 =	sld [smem:$0x3FFE];
	_ =	sdelay $0x1  }
0x2: {  	s1 =	srdreg.scid  }
0x3: {  	s0 =	sand.u32 $0x1, s1  }
0x4: {  	s18 =	sshll.u32 s0, $0xA;
	s2 =	sadd.s32 s3, s2  }
0x5: {  	s2 =	sadd.s32 s2, s18  }
0x6: {  	[smem:$0x3FC7] =	sst s2  }
0x7: {  	_ = 	snop  }
0x8: {  	s2 =	sld [smem:$0x3FD0];
	(tm) =	ssettm $0x1  }
0x9: {  	s19 =	sld [smem:$0x3FFB];
	_ =	sdelay $0x3  }
0xa: {  	_ =	strace s19  }
0xb: {  	s3 =	sld [smem:$0x3FFC];
	_ =	sdelay $0x3  }
0xc: {  	_ =	strace s3  }
0xd: {  	s3 =	sld [smem:$0x3FFD];
	_ =	sdelay $0x3  }
0xe: {  	_ =	strace s3  }
0xf: {  	_ =	strace $0x8FFFFFFF  }
0x10: {  	s20 =	sld [smem:$0x3FDB];
	_ =	sdelay $0x1  }
0x11: {  	s4 =	simm.s32 $_scs_section_size  }
0x12: {  	s5 =	simm.s32 $_size__tile_overlayer_lowered;
	s6 =	simm.s32 $_tile_overlayer_lowered  }
0x13: {  	s23 =	simm.s32 $0x1BFF;
	s22 =	sshll.u32 s6, $0x1;
	s3 =	sadd.s32 s4, s20  }
0x14: {  	s7 =	simm.s32 $0x0;
	s21 =	sshll.u32 s5, $0x1;
	s5 =	sadd.s32 s22, s3  }
0x15: {  	[timem:s7], [sflag:s23] =	dma.local [hbm:s5], s21  }
0x16: {  	_ =	swait.ge [sflag:s23], s21  }
0x17: {  	s4 =	ssub.s32 $0x0, s21;
	[sflag:s23] =	ssyncset.done $0x0  }
0x18: {  	[sflag:s23] =	ssyncadd.s32 s4;
	_ =	sdelay $0x1  }
0x19: {  	s24 =	simm.s32 $0x1B8B  }
0x1a: {  	_ =	swait.ge [sflag:s24], $0x1  }
0x1b: {  	[sflag:s24] =	ssyncset.done $0x0  }
0x1c: {  	s26 =	simm.s32 $0x1B8E;
	s25 =	sld [smem:$0x3FFE];
	[sflag:s24] =	ssyncadd.s32 $0xFFFFFFFF  }
0x1d: {  	s27 =	simm.s32 $execute0_lowered;
	[smem:$0x3FD2] =	sst s26  }
0x1e: {  	s5 =	sshll.u32 s27, $0x1;
	_ =	strace $0x80000049;
	[dreg:$0x1] =	wrdreg $0xFFFFFFFF  }
0x1f: {  	s28 =	simm.s32 $_size_execute0_lowered;
	s3 =	sadd.s32 s3, s5;
	[dreg:$0x0] =	wrdreg $0x0  }
0x20: {  	s5 =	sshll.u32 s28, $0x1;
	[dreg:$0x2] =	wrdreg s3  }
0x21: {  	[dreg:$0x3] =	wrdreg s5  }
0x22: {  	[dreg:$0x4] =	wrdreg $0xC0  }
0x23: {  	_ =	task [dreg:s7], $0x5FFFF  }
0x24: {  	[dreg:$0x1] =	wrdreg $0xFFFFFFFF  }
0x25: {  	[dreg:$0x0] =	wrdreg $0x60  }
0x26: {  	[dreg:$0x2] =	wrdreg s25  }
0x27: {  	[dreg:$0x3] =	wrdreg s2  }
0x28: {  	[dreg:$0x4] =	wrdreg $0x9  }
0x29: {  	_ =	task.clear_ibuf [dreg:s7], $0x5FFFF;
	_ =	strace $0x90000049  }
0x2a: {  	s29 =	simm.s32 $0x9;
	_ =	strace $0x8000004B  }
0x2b: {  	_ =	swait.ge [sflag:s29], $0x1  }
0x2c: {  	[sflag:s29] =	ssyncadd.s32 $0xFFFFFFFF  }
0x2d: {  	_ =	strace $0x9000004B  }
0x2e: {  	_ =	sfence  }
0x2f: {  	s30 =	sld [smem:$0x0];
	_ =	sdelay $0x2  }
0x30: {  	s31 =	sshll.u32 s1, $0xD;
	s1 =	sshrl.u32 s1, $0x2  }
0x31: {  	s3 =	sand.u32 $0x4000, s31;
	s1 =	sadd.s32 s1, s30  }
0x32: {  	s0 =	sor.u32 s3, s0;
	s1 =	sshll.u32 s1, $0x11  }
0x33: {  	s0 =	sor.u32 s1, s0  }
0x34: {  	s0 =	sadd.s32 $0x8F2B, s0  }
0x35: {  	[sflag:s0] =	ssyncadd.remote.s32 $0x1  }
0x36: {  	_ =	sfence.sel $0xFFFF  }
0x37: {  	[dreg:$0x0] =	wrdreg $0xFFFFFFFF;
	(pc) =	sbr.abs _section_cstart, $3  }
0x38: {  	[dreg:$0x1] =	wrdreg $0xFFFFFFFF  }
0x39: {  	_ =	task.clear_ibuf [dreg:s7], $0x2FFFF;
	_ =	strace $0x9FFFFFFF  }
0x3a: {  	(tm) =	ssettm $0x7FFFFFFF  }
0x3b: {  	_ =	shalt  }
tec
execute0_lowered:
.L_overlay_start_1:
0x0: {  	(tag) =	ssettag $0x1  }
0x1: {  	s14 =	rddreg [dreg:$0x0]  }
0x2: {  	s2 =	rddreg [dreg:$0x1]  }
0x3: {  	s0 =	rddreg [dreg:$0x2]  }
0x4: {  	_ =	strace $0x8000004A;
	s1 =	stileid.u32;
	s3 =	srdreg.scid  }
0x5: {  	s13 =	simm.s32 $0x2;
	s20 =	simm.s32 $0x0;
	s16 =	simm.s32 $0x40000  }
0x6: {  	s21 =	simm.s32 $0x0;
	s19 =	simm.s32 $0x0;
	s4 =	sshll.u32 s1, $0x3  }
0x7: {  	s5 =	sshll.u32 s1, $0x5;
	s6 =	sshll.u32 s3, $0x9;
	s3 =	sadd.s32 $0x200800, s14  }
0x8: {  	s12 =	sadd.s32 $0x480800, s14;
	s4 =	sand.u32 $0x18, s4;
	s5 =	sor.u32 s5, s6  }
0x9: {  	s6 =	simm.s32 $0x1;
	s5 =	sand.u32 $0x380, s5;
	s7 =	ssub.s32 $0x20, s4  }
0xa: {  	[sflag:s6] =	ssyncpa.u1 $0x0;
	s18 =	smov.u32 s4;
	s8 =	sand.u32 $0x18, s7  }
0xb: {  	s9 =	ssub.s32 $0x8000, s5;
	p0 =	sne.s32 s8, $0x0;
	s8 =	simm.s32 $0x1  }
0xc: {  	s7 =	sshrl.u32 s7, $0x5;
	s10 =	sand.u32 $0x380, s9;
	s8 =	simm.s32 @!p0 $0x0  }
0xd: {  	p0 =	sne.s32 s10, $0x0;
	s11 =	sadd.s32 s8, s7;
	s8 =	simm.s32 $0x1  }
.Ltmp0:
0xe: {  	s9 =	sshrl.u32 s9, $0xA;
	s8 =	simm.s32 @!p0 $0x0;
	(pc) =	sbr.rel .LBB1_1-.Ltmp0, $4  }
0xf: {  	[sflag:s13] =	ssyncpa.u1 $0x0;
	s13 =	sadd.s32 $0x500800, s14;
	s31 =	sadd.s32 s8, s9  }
0x10: {  	s17 =	smov.u32 s5;
	s7 =	sadd.s32 $0x280800, s14;
	s10 =	smul.u32 s11, s31  }
0x11: {  	p0 =	por $0x0, $0x0;
	s8 =	sadd.s32 $0x300800, s14;
	s9 =	sadd.s32 $0x380800, s14  }
0x12: {  	s11 =	sadd.s32 $0x400800, s14;
	s14 =	sadd.s32 $0x580800, s14;
	s15 =	sadd.s32 $0x1, s10  }
.LBB1_7:
0x13: {  	s22 =	sadd.s32 $0x400, s17  }
0x14: {  	s20 =	sadd.s32 $0x20, s18;
	s24 =	smov.u32 s18;
	p2 =	sgt.s32 s22, $0x7FFF  }
0x15: {  	s24 =	smov.u32 @p2 s20  }
0x16: {  	s22 =	smov.u32 @p2 s5;
	p2 =	sgt.s32 s24, $0x1F  }
0x17: {  	s24 =	smov.u32 @p2 s4;
	p2 =	sne.s32 s19, s15  }
.Ltmp1:
0x18: {  	p1 =	slt.u32 s19, $0x2;
	(pc) =	sbr.rel @!p2 .LBB1_8-.Ltmp1, $4  }
0x19: {  	s23 =	simm.s32 @!p1 $0x2  }
0x1a: {  	s21 =	smov.u32 s18;
	p0 =	por !p0, !p0;
	_ =	swait.ge @!p1 [sflag:s23], $0x4000  }
0x1b: {  	s20 =	smov.u32 s17;
	[sflag:s23] =	ssyncset.done @!p1 $0x0;
	s17 =	smov.u32 s22  }
0x1c: {  	s19 =	sadd.s32 $0x1, s19;
	[sflag:s23] =	ssyncadd.s32 @!p1 $0xFFFFC000;
	s18 =	smov.u32 s24  }
.LBB1_1:
0x1d: {  	p1 =	sge.u32 s19, s10  }
0x1e: {  	s22 =	sxor.u32 @!p1 $0xFFFFFFFF, s19  }
0x1f: {  	s23 =	sshll.u32 @!p1 s18, $0x13;
	s24 =	sshll.u32 @!p1 s17, $0x4;
	s26 =	simm.s32 @!p1 $0x10  }
0x20: {  	s22 =	sshll.u32 @!p1 s22, $0xE;
	s24 =	sand.u32 @!p1 $0x7FFF0, s24;
	s25 =	sadd.s32 @!p1 s3, s23  }
0x21: {  	s27 =	simm.s32 @!p1 $0x80;
	s22 =	sand.u32 @!p1 $0x4000, s22;
	s25 =	sadd.s32 @!p1 s24, s25  }
0x22: {  	[tilespmem:s22], [sflag:$0x1] =	stream.strided.gather @!p1 [hbm4b:s25+s26], $0x800, s27, s26, $0x38;
	[tilespmem:$0x10100] =	vst v63  }
0x23: {  	s25 =	sadd.s32 @!p1 s23, s7  }
0x24: {  	s28 =	sor.u32 @!p1 $0x800, s22;
	s25 =	sadd.s32 @!p1 s24, s25  }
0x25: {  	[tilespmem:s28], [sflag:$0x1] =	stream.strided.gather @!p1 [hbm4b:s25+s26], $0x800, s27, s26, $0x38;
	[tilespmem:$0x10100] =	vst v63  }
0x26: {  	s25 =	sadd.s32 @!p1 s23, s8  }
0x27: {  	s28 =	sor.u32 @!p1 $0x1000, s22;
	s25 =	sadd.s32 @!p1 s24, s25  }
0x28: {  	[tilespmem:s28], [sflag:$0x1] =	stream.strided.gather @!p1 [hbm4b:s25+s26], $0x800, s27, s26, $0x38;
	[tilespmem:$0x10100] =	vst v63  }
0x29: {  	s25 =	sadd.s32 @!p1 s23, s9  }
0x2a: {  	s28 =	sor.u32 @!p1 $0x1800, s22;
	s25 =	sadd.s32 @!p1 s24, s25  }
0x2b: {  	[tilespmem:s28], [sflag:$0x1] =	stream.strided.gather @!p1 [hbm4b:s25+s26], $0x800, s27, s26, $0x38;
	[tilespmem:$0x10100] =	vst v63  }
0x2c: {  	s25 =	sadd.s32 @!p1 s23, s11  }
0x2d: {  	s28 =	sor.u32 @!p1 $0x2000, s22;
	s25 =	sadd.s32 @!p1 s24, s25  }
0x2e: {  	[tilespmem:s28], [sflag:$0x1] =	stream.strided.gather @!p1 [hbm4b:s25+s26], $0x800, s27, s26, $0x38;
	[tilespmem:$0x10100] =	vst v63  }
0x2f: {  	s25 =	sadd.s32 @!p1 s23, s12  }
0x30: {  	s28 =	sor.u32 @!p1 $0x2800, s22;
	s25 =	sadd.s32 @!p1 s24, s25  }
0x31: {  	[tilespmem:s28], [sflag:$0x1] =	stream.strided.gather @!p1 [hbm4b:s25+s26], $0x800, s27, s26, $0x38;
	[tilespmem:$0x10100] =	vst v63  }
0x32: {  	s25 =	sadd.s32 @!p1 s23, s13  }
0x33: {  	s28 =	sor.u32 @!p1 $0x3000, s22;
	s23 =	sadd.s32 @!p1 s23, s14;
	s25 =	sadd.s32 @!p1 s24, s25  }
0x34: {  	[tilespmem:s28], [sflag:$0x1] =	stream.strided.gather @!p1 [hbm4b:s25+s26], $0x800, s27, s26, $0x38;
	[tilespmem:$0x10100] =	vst v63  }
0x35: {  	s31 =	sadd.s32 $0xFFFFFFFF, s19;
	s22 =	sor.u32 @!p1 $0x3800, s22;
	s23 =	sadd.s32 @!p1 s24, s23  }
0x36: {  	[tilespmem:s22], [sflag:$0x1] =	stream.strided.gather @!p1 [hbm4b:s23+s26], $0x800, s27, s26, $0x38;
	[tilespmem:$0x10100] =	vst v63  }
0x37: {  	p1 =	sge.u32 s31, s10  }
.Ltmp2:
0x38: {  	_ = 	snop;
	(pc) =	sbr.rel @p1 .LBB1_7-.Ltmp2, $1  }
0x39: {  	_ =	sdelay $0x3  }
0x3a: {  	s22 =	simm.s32 $0x1;
	s24 =	sand.u32 $0x1, s19  }
0x3b: {  	_ =	swait.ge [sflag:s6], $0x4000;
	s22 =	simm.s32 @!p0 $0x0;
	s25 =	smul.u32 $0x10200, s24  }
0x3c: {  	[sflag:s6] =	ssyncset.done $0x0;
	s23 =	smul.u32 $0x10200, s22  }
0x3d: {  	s22 =	sshll.u32 s22, $0xE;
	[sflag:s6] =	ssyncadd.s32 $0xFFFFC000  }
0x3e: {  	s24 =	sor.u32 $0x40, s22;
	s31 =	sshrl.u32 s25, $0x2;
	s23 =	sshrl.u32 s23, $0x2  }
0x3f: {  	s25 =	simm.s32 $0x0;
	s22 =	sor.u32 $0x8000, s31;
	s23 =	sor.u32 $0x8007, s23  }
.LBB1_3:
0x40: {  	v3 =	vld [tilespmem:s24+$0x30]  }
0x41: {  	v4 =	vld [tilespmem:s24+$0xFFFFFFD0]  }
0x42: {  	v5 =	vld [tilespmem:s24+$0xFFFFFFE0]  }
0x43: {  	v1 =	vld [tilespmem:s24+$0xFFFFFFF0]  }
0x44: {  	v0 =	vld [tilespmem:s24+$0x0]  }
0x45: {  	v2 =	vld [tilespmem:s24+$0x10];
	[tilespmem:s23+$0x0 ss:$0x81] =	vst.msk $0xffff, v3  }
0x46: {  	[tilespmem:s23+$0xFFFFFFFA ss:$0x81] =	vst.msk $0xffff, v4;
	v4 =	vld [tilespmem:s24+$0x20]  }
0x47: {  	s27 =	simm.s32 $0x0;
	s28 =	sadd.s32 $0x80, s24;
	s26 =	smov.u32 s23;
	v3 =	vld [tilespmem:s24+$0xFFFFFFC0];
	[tilespmem:s23+$0xFFFFFFFB ss:$0x81] =	vst.msk $0xffff, v5  }
.LBB1_4:
0x48: {  	v5 =	vld [tilespmem:s28+$0x30];
	s27 =	sadd.s32 $0x8, s27;
	[tilespmem:s26+$0xFFFFFFFC ss:$0x81] =	vst.msk $0xffff, v1  }
0x49: {  	v6 =	vld [tilespmem:s28+$0xFFFFFFD0];
	p1 =	slt.u32 s27, $0x78;
	[tilespmem:s26+$0xFFFFFFFD ss:$0x81] =	vst.msk $0xffff, v0  }
0x4a: {  	v7 =	vld [tilespmem:s28+$0xFFFFFFE0];
	[tilespmem:s26+$0xFFFFFFFE ss:$0x81] =	vst.msk $0xffff, v2  }
.Ltmp3:
0x4b: {  	v1 =	vld [tilespmem:s28+$0xFFFFFFF0];
	[tilespmem:s26+$0xFFFFFFFF ss:$0x81] =	vst.msk $0xffff, v4;
	(pc) =	sbr.rel @p1 .LBB1_4-.Ltmp3, $4  }
0x4c: {  	v0 =	vld [tilespmem:s28+$0x0];
	[tilespmem:s26+$0xFFFFFFF9 ss:$0x81] =	vst.msk $0xffff, v3;
	s26 =	sadd.s32 $0x8, s26  }
0x4d: {  	v2 =	vld [tilespmem:s28+$0x10];
	[tilespmem:s26+$0x0 ss:$0x81] =	vst.msk $0xffff, v5  }
0x4e: {  	[tilespmem:s26+$0xFFFFFFFA ss:$0x81] =	vst.msk $0xffff, v6;
	v4 =	vld [tilespmem:s28+$0x20]  }
0x4f: {  	v3 =	vld [tilespmem:s28+$0xFFFFFFC0];
	[tilespmem:s26+$0xFFFFFFFB ss:$0x81] =	vst.msk $0xffff, v7;
	s28 =	sadd.s32 $0x80, s28  }
0x50: {  	s25 =	sadd.s32 $0x1, s25  }
0x51: {  	p1 =	sne.s32 s25, $0x8  }
.Ltmp4:
0x52: {  	[tilespmem:s26+$0xFFFFFFFC ss:$0x81] =	vst.msk $0xffff, v1;
	(pc) =	sbr.rel @p1 .LBB1_3-.Ltmp4, $4  }
0x53: {  	[tilespmem:s26+$0xFFFFFFFD ss:$0x81] =	vst.msk $0xffff, v0  }
0x54: {  	[tilespmem:s26+$0xFFFFFFFE ss:$0x81] =	vst.msk $0xffff, v2  }
0x55: {  	[tilespmem:s26+$0xFFFFFFFF ss:$0x81] =	vst.msk $0xffff, v4  }
0x56: {  	s23 =	sadd.s32 $0x810, s23;
	s24 =	sadd.s32 $0x800, s24;
	[tilespmem:s26+$0xFFFFFFF9 ss:$0x81] =	vst.msk $0xffff, v3  }
0x57: {  	s23 =	sshll.u32 s20, $0x3;
	s24 =	sand.u32 $0x78, s20;
	s21 =	sshll.u32 s21, $0x10  }
.Ltmp5:
0x58: {  	s30 =	sand.u32 $0xF000, s20;
	s23 =	sand.u32 $0x7C00, s23;
	(pc) =	sbr.rel .LBB1_7-.Ltmp5, $4  }
0x59: {  	s31 =	sand.u32 $0x7, s20;
	s21 =	sadd.s32 s2, s21;
	s23 =	sor.u32 s24, s23  }
0x5a: {  	s20 =	sshll.u32 s31, $0x12;
	s21 =	sadd.s32 s30, s21;
	s23 =	sshrl.u32 s23, $0x3  }
0x5b: {  	s20 =	sor.u32 $0x400, s20;
	s21 =	sadd.s32 s23, s21  }
0x5c: {  	[hbm4b:s21+s20] =	stream.strided.scatter [tilespmem:s22], [sflag:$0x2], $0x4000, s16, s20, $0x20;
	[tilespmem:$0x10100] =	vst v63  }
.LBB1_8:
0x5d: {  	_ =	sfence.sel $0x180000  }
0x5e: {  	s2 =	simm.s32 $0x1;
	[bflag:$0x0] =	sbarrier.arrive $0xFFFF  }
0x5f: {  	s31 =	simm.s32 $0x2;
	[sflag:s2] =	ssyncpa.u1 $0x1  }
0x60: {  	[sflag:s31] =	ssyncpa.u1 $0x1  }
0x61: {  	p0 =	sne.s32 s1, $0x0;
	_ =	strace $0x9000004A  }
0x62: {  	s0 =	sadd.s32 @!p0 $0x100000, s0;
	[bflag:$0x2] =	sbarrier.arrive $0xFFFF  }
0x63: {  	[sflag:s0] =	ssyncadd.tile.s32 @!p0 $0x1;
	_ =	shalt  }
.Lfunc_end1:
_tile_overlayer_lowered:
.L_overlay_start_2:
0x64: {  	(tag) =	ssettag $0x2  }
0x65: {  	s0 =	rddreg [dreg:$0x0];
	s2 =	stileid.u32  }
0x66: {  	s1 =	rddreg [dreg:$0x1];
	p0 =	sne.s32 s2, $0x0  }
0x67: {  	s3 =	rddreg [dreg:$0x2];
	[bflag:$0x3] =	sbarrier.arrive $0xFFFF;
	s2 =	simm.s32 @!p0 $0x1C01  }
0x68: {  	[timem:s3], [sflag:s2] =	dma.local @!p0 [hbm:s0], s1  }
0x69: {  	s0 =	simm.s32 @!p0 $0x1  }
0x6a: {  	_ =	swait.ge @!p0 [sflag:s0], s1  }
0x6b: {  	s1 =	ssub.s32 @!p0 $0x0, s1;
	[sflag:s0] =	ssyncset.done @!p0 $0x0  }
0x6c: {  	[sflag:s0] =	ssyncadd.s32 @!p0 s1  }
0x6d: {  	[bflag:$0x3] =	sbarrier.arrive $0xFFFF  }
0x6e: {  	_ =	shalt  }

</sc_bundles>
